<compile_context>
chip_gen: v7x
topology: tpu7x:2x2x1
jax: 0.10.2.dev20260603
libtpu: 0.0.44.dev20260713+nightly
codegen_flags: <defaults>
</compile_context>

<pallas_src>
import functools

import jax
import jax.numpy as jnp
from jax import lax
from jax.experimental import pallas as pl
from jax.experimental.pallas import tpu as pltpu
from jax.experimental.pallas import tpu_sc as plsc

EMBED = 128
BATCH = 16384
CHUNK = 128
NC, NS = 2, 16
NW = NC * NS
NB = 3

_sc_mesh = plsc.VectorSubcoreMesh(core_axis_name="c", subcore_axis_name="s")


def _gather_body(g_per_w, users_hbm, movies_hbm, uemb_hbm, memb_hbm,
                 u_out, m_out, idx_u, idx_m, rows, isem_u, isem_m, *sems):
    gsems, wsems = sems[:NB], sems[NB:]
    wid = lax.axis_index("s") * NC + lax.axis_index("c")
    gbase = wid * g_per_w
    icp_u = pltpu.async_copy(users_hbm.at[pl.ds(gbase, g_per_w)], idx_u, isem_u)
    icp_m = pltpu.async_copy(movies_hbm.at[pl.ds(gbase, g_per_w)], idx_m, isem_m)
    icp = {id(idx_u): icp_u, id(idx_m): icp_m}
    pairs = ([(idx_u, uemb_hbm, u_out, q) for q in range(g_per_w // 2)]
             + [(idx_m, memb_hbm, m_out, q) for q in range(g_per_w // 2)])
    n = len(pairs)
    gdesc, wdesc = [None] * n, [None] * n

    def issue_write(j):
        _, _, out, qj = pairs[j]
        bj = j % NB
        for d in gdesc[j]:
            d.wait()
        wdesc[j] = pltpu.async_copy(
            rows.at[bj],
            out.at[pl.ds((gbase // 2 + qj) * 2 * CHUNK, 2 * CHUNK)],
            wsems[bj])

    for c in range(n):
        b = c % NB
        if c >= NB:
            wdesc[c - NB].wait()
        ix, tab, _, q = pairs[c]
        d = icp.pop(id(ix), None)
        if d is not None:
            d.wait()
        gdesc[c] = [
            pltpu.async_copy(tab.at[ix.at[2 * q]],
                             rows.at[b, pl.ds(0, CHUNK)], gsems[b]),
            pltpu.async_copy(tab.at[ix.at[2 * q + 1]],
                             rows.at[b, pl.ds(CHUNK, CHUNK)], gsems[b]),
        ]
        if c - (NB - 1) >= 0:
            issue_write(c - (NB - 1))
    for j in range(max(n - (NB - 1), 0), n):
        issue_write(j)
    for j in range(max(n - NB, 0), n):
        wdesc[j].wait()


def _make_gather(batch):
    groups = batch // CHUNK
    g_per_w = groups // NW
    return pl.kernel(
        functools.partial(_gather_body, g_per_w),
        out_type=(
            jax.ShapeDtypeStruct((batch, EMBED), jnp.float32),
            jax.ShapeDtypeStruct((batch, EMBED), jnp.float32),
        ),
        mesh=_sc_mesh,
        scratch_types=(
            [pltpu.VMEM((g_per_w, CHUNK), jnp.int32),
             pltpu.VMEM((g_per_w, CHUNK), jnp.int32),
             pltpu.VMEM((NB, 2 * CHUNK, EMBED), jnp.float32),
             pltpu.SemaphoreType.DMA,
             pltpu.SemaphoreType.DMA]
            + [pltpu.SemaphoreType.DMA] * (2 * NB)
        ),
    )


def _mm_body(u_ref, m_ref, wu_ref, wm_ref, b_ref, o_ref):
    dn = (((1,), (1,)), ((), ()))
    acc = lax.dot_general(wu_ref[...], u_ref[...], dn,
                          preferred_element_type=jnp.float32)
    acc = acc + lax.dot_general(wm_ref[...], m_ref[...], dn,
                                preferred_element_type=jnp.float32)
    o_ref[...] = acc + b_ref[...]


BM = 4096


def _matmul(u_rows, m_rows, wu, wm, b2):
    batch = u_rows.shape[0]
    n_out = wu.shape[0]
    return pl.pallas_call(
        _mm_body,
        grid=(batch // BM,),
        in_specs=[
            pl.BlockSpec((BM, EMBED), lambda i: (i, 0)),
            pl.BlockSpec((BM, EMBED), lambda i: (i, 0)),
            pl.BlockSpec((n_out, EMBED), lambda i: (0, 0)),
            pl.BlockSpec((n_out, EMBED), lambda i: (0, 0)),
            pl.BlockSpec((n_out, 1), lambda i: (0, 0)),
        ],
        out_specs=pl.BlockSpec((n_out, BM), lambda i: (0, i)),
        out_shape=jax.ShapeDtypeStruct((n_out, batch), jnp.float32),
    )(u_rows, m_rows, wu, wm, b2)


_gather = _make_gather(BATCH)


def kernel(users, movies, user_emb, movie_emb, fc_w, fc_b):
    groups = BATCH // CHUNK
    u_rows, m_rows = _gather(users.reshape(groups, CHUNK),
                             movies.reshape(groups, CHUNK),
                             user_emb, movie_emb)
    out_t = _matmul(u_rows, m_rows, fc_w[:, :EMBED], fc_w[:, EMBED:],
                    fc_b.reshape(-1, 1))
    return out_t.T

# --- scband reference (transcript-rebuilt; emitter-appended) ---
"""Pipeline reference for scband-rec-sys-model-43112881717295 (READ-ONLY COPY).

The authoritative reference and input builder live on the scoring server;
editing this copy changes nothing except your own understanding.
"""

import jax, jax.numpy as jnp
import numpy as np

EMBED = 128
NUM_USERS = 1000000
NUM_MOVIES = 100000
NUM_RATING = 10
BATCH = 16384


def setup_inputs(seed: int = 0) -> dict:
    key = jax.random.key(seed)
    k1, k2, k3, k4, k5, k6 = jax.random.split(key, 6)
    users = jax.random.randint(k1, (BATCH,), 0, NUM_USERS, dtype=jnp.int64 if jax.config.jax_enable_x64 else jnp.int32).astype(jnp.int32)
    movies = jax.random.randint(k2, (BATCH,), 0, NUM_MOVIES).astype(jnp.int32)
    user_emb = jax.random.normal(k3, (NUM_USERS, EMBED), dtype=jnp.float32) * 0.02
    movie_emb = jax.random.normal(k4, (NUM_MOVIES, EMBED), dtype=jnp.float32) * 0.02
    fc_w = jax.random.normal(k5, (NUM_RATING, 2 * EMBED), dtype=jnp.float32) * (1.0 / np.sqrt(2 * EMBED))
    fc_b = jax.random.normal(k6, (NUM_RATING,), dtype=jnp.float32) * 0.01
    return {"users": users, "movies": movies, "user_emb": user_emb, "movie_emb": movie_emb, "fc_w": fc_w, "fc_b": fc_b}


def reference(users, movies, user_emb, movie_emb, fc_w, fc_b):
    u = jnp.take(user_emb, users, axis=0)
    m = jnp.take(movie_emb, movies, axis=0)
    x = jnp.concatenate([u, m], axis=1)
    out = x @ fc_w.T + fc_b
    return out

if __name__ == "__main__":
    import jax
    _d = setup_inputs()
    print(jax.jit(kernel)(*tuple(_d.values())))

</pallas_src>

<mosaic_0001>
#map = affine_map<(d0, d1) -> (0, 0)>
module attributes {stable_mosaic.version = 14 : i64} {
  func.func @_gather_body(%arg0: i32, %arg1: i32, %arg2: memref<128x128xi32, #tpu.memory_space<hbm>>, %arg3: memref<128x128xi32, #tpu.memory_space<hbm>>, %arg4: memref<1000000x128xf32, #tpu.memory_space<hbm>>, %arg5: memref<100000x128xf32, #tpu.memory_space<hbm>>, %arg6: memref<16384x128xf32, #tpu.memory_space<hbm>>, %arg7: memref<16384x128xf32, #tpu.memory_space<hbm>>, %arg8: memref<4x128xi32, #tpu.memory_space<vmem>>, %arg9: memref<4x128xi32, #tpu.memory_space<vmem>>, %arg10: memref<3x256x128xf32, #tpu.memory_space<vmem>>, %arg11: memref<!tpu.dma_semaphore, #tpu.memory_space<semaphore_mem>>, %arg12: memref<!tpu.dma_semaphore, #tpu.memory_space<semaphore_mem>>, %arg13: memref<!tpu.dma_semaphore, #tpu.memory_space<semaphore_mem>>, %arg14: memref<!tpu.dma_semaphore, #tpu.memory_space<semaphore_mem>>, %arg15: memref<!tpu.dma_semaphore, #tpu.memory_space<semaphore_mem>>, %arg16: memref<!tpu.dma_semaphore, #tpu.memory_space<semaphore_mem>>, %arg17: memref<!tpu.dma_semaphore, #tpu.memory_space<semaphore_mem>>, %arg18: memref<!tpu.dma_semaphore, #tpu.memory_space<semaphore_mem>>) attributes {dimension_semantics = [#tpu.dimension_semantics<core_parallel>, #tpu.dimension_semantics<subcore_parallel>], iteration_bounds = array<i64: 2, 16>, scalar_prefetch = 0 : i64, scratch_operands = 11 : i64, tpu.core_type = #tpu.core_type<sc_vector_subcore>, window_params = [{transform_indices = #map}, {transform_indices = #map}, {transform_indices = #map}, {transform_indices = #map}, {transform_indices = #map}, {transform_indices = #map}]} {
    %mul3A = arith.constant 2 : i32
    %mul3A_0 = arith.muli %arg1, %mul3A : i32
    %add3A = arith.addi %mul3A_0, %arg0 : i32
    %mul3A_1 = arith.constant 4 : i32
    %mul3A_2 = arith.muli %add3A, %mul3A_1 : i32
    %dma_start3A = arith.constant 0 : i32
    %dma_start3A_3 = tpu.memref_slice %arg2[%mul3A_2, %dma_start3A] : memref<128x128xi32, #tpu.memory_space<hbm>> -> memref<4x128xi32, #tpu.memory_space<hbm>>
    %dma_start3A_4 = arith.constant 0 : i32
    %dma_start3A_5 = tpu.memref_slice %arg2[%mul3A_2, %dma_start3A_4] : memref<128x128xi32, #tpu.memory_space<hbm>> -> memref<4x128xi32, #tpu.memory_space<hbm>>
    tpu.enqueue_dma source(%dma_start3A_5 : memref<4x128xi32, #tpu.memory_space<hbm>>) target(%arg8 : memref<4x128xi32, #tpu.memory_space<vmem>>) target_semaphore(%arg11 : memref<!tpu.dma_semaphore, #tpu.memory_space<semaphore_mem>>)
    %dma_start3A_6 = arith.constant 0 : i32
    %dma_start3A_7 = tpu.memref_slice %arg3[%mul3A_2, %dma_start3A_6] : memref<128x128xi32, #tpu.memory_space<hbm>> -> memref<4x128xi32, #tpu.memory_space<hbm>>
    %dma_start3A_8 = arith.constant 0 : i32
    %dma_start3A_9 = tpu.memref_slice %arg3[%mul3A_2, %dma_start3A_8] : memref<128x128xi32, #tpu.memory_space<hbm>> -> memref<4x128xi32, #tpu.memory_space<hbm>>
    tpu.enqueue_dma source(%dma_start3A_9 : memref<4x128xi32, #tpu.memory_space<hbm>>) target(%arg9 : memref<4x128xi32, #tpu.memory_space<vmem>>) target_semaphore(%arg12 : memref<!tpu.dma_semaphore, #tpu.memory_space<semaphore_mem>>)
    %dma_wait3A = arith.constant 0 : i32
    %dma_wait3A_10 = tpu.memref_slice %arg2[%mul3A_2, %dma_wait3A] : memref<128x128xi32, #tpu.memory_space<hbm>> -> memref<4x128xi32, #tpu.memory_space<hbm>>
    %dma_wait3A_11 = arith.constant 0 : i32
    %dma_wait3A_12 = tpu.memref_slice %arg2[%mul3A_2, %dma_wait3A_11] : memref<128x128xi32, #tpu.memory_space<hbm>> -> memref<4x128xi32, #tpu.memory_space<hbm>>
    tpu.wait_dma2 semaphore(%arg11 : memref<!tpu.dma_semaphore, #tpu.memory_space<semaphore_mem>>) src(%dma_wait3A_12 : memref<4x128xi32, #tpu.memory_space<hbm>>) dst(%arg8 : memref<4x128xi32, #tpu.memory_space<vmem>>)
    %dma_start3A_13 = arith.constant 0 : i32
    %dma_start3A_14 = arith.constant 0 : i32
    %dma_start3A_15 = arith.constant 0 : i32
    %dma_start3A_16 = arith.constant 0 : i32
    %dma_start3A_17 = tpu.memref_slice %arg10[%dma_start3A_14, %dma_start3A_15, %dma_start3A_16] : memref<3x256x128xf32, #tpu.memory_space<vmem>> -> memref<1x128x128xf32, #tpu.memory_space<vmem>>
    %dma_start3A_18 = tpu.memref_squeeze %dma_start3A_17 : memref<1x128x128xf32, #tpu.memory_space<vmem>> -> memref<128x128xf32, #tpu.memory_space<vmem>>
    %dma_start3A_19 = arith.constant 0 : i32
    %dma_start3A_20 = tpu.memref_slice %arg8[%dma_start3A_13, %dma_start3A_19] : memref<4x128xi32, #tpu.memory_space<vmem>> -> memref<1x128xi32, #tpu.memory_space<vmem>>
    %dma_start3A_21 = tpu.memref_squeeze %dma_start3A_20 : memref<1x128xi32, #tpu.memory_space<vmem>> -> memref<128xi32, #tpu.memory_space<vmem>>
    %dma_start3A_22 = arith.constant 0 : i32
    %dma_start3A_23 = arith.constant 0 : i32
    %dma_start3A_24 = tpu.memref_slice %arg4[%dma_start3A_22, %dma_start3A_23] : memref<1000000x128xf32, #tpu.memory_space<hbm>> -> memref<1000000x128xf32, #tpu.memory_space<hbm>>
    tpu.enqueue_indirect_dma source(%dma_start3A_24 : memref<1000000x128xf32, #tpu.memory_space<hbm>>) target(%dma_start3A_18 : memref<128x128xf32, #tpu.memory_space<vmem>>) offsets(%dma_start3A_21 : memref<128xi32, #tpu.memory_space<vmem>>) semaphore(%arg13 : memref<!tpu.dma_semaphore, #tpu.memory_space<semaphore_mem>>)
    %dma_start3A_25 = arith.constant 1 : i32
    %dma_start3A_26 = arith.constant 0 : i32
    %dma_start3A_27 = arith.constant 128 : i32
    %dma_start3A_28 = arith.constant 0 : i32
    %dma_start3A_29 = tpu.memref_slice %arg10[%dma_start3A_26, %dma_start3A_27, %dma_start3A_28] : memref<3x256x128xf32, #tpu.memory_space<vmem>> -> memref<1x128x128xf32, #tpu.memory_space<vmem>>
    %dma_start3A_30 = tpu.memref_squeeze %dma_start3A_29 : memref<1x128x128xf32, #tpu.memory_space<vmem>> -> memref<128x128xf32, #tpu.memory_space<vmem>>
    %dma_start3A_31 = arith.constant 0 : i32
    %dma_start3A_32 = tpu.memref_slice %arg8[%dma_start3A_25, %dma_start3A_31] : memref<4x128xi32, #tpu.memory_space<vmem>> -> memref<1x128xi32, #tpu.memory_space<vmem>>
    %dma_start3A_33 = tpu.memref_squeeze %dma_start3A_32 : memref<1x128xi32, #tpu.memory_space<vmem>> -> memref<128xi32, #tpu.memory_space<vmem>>
    %dma_start3A_34 = arith.constant 0 : i32
    %dma_start3A_35 = arith.constant 0 : i32
    %dma_start3A_36 = tpu.memref_slice %arg4[%dma_start3A_34, %dma_start3A_35] : memref<1000000x128xf32, #tpu.memory_space<hbm>> -> memref<1000000x128xf32, #tpu.memory_space<hbm>>
    tpu.enqueue_indirect_dma source(%dma_start3A_36 : memref<1000000x128xf32, #tpu.memory_space<hbm>>) target(%dma_start3A_30 : memref<128x128xf32, #tpu.memory_space<vmem>>) offsets(%dma_start3A_33 : memref<128xi32, #tpu.memory_space<vmem>>) semaphore(%arg13 : memref<!tpu.dma_semaphore, #tpu.memory_space<semaphore_mem>>)
    %dma_start3A_37 = arith.constant 2 : i32
    %dma_start3A_38 = arith.constant 1 : i32
    %dma_start3A_39 = arith.constant 0 : i32
    %dma_start3A_40 = arith.constant 0 : i32
    %dma_start3A_41 = tpu.memref_slice %arg10[%dma_start3A_38, %dma_start3A_39, %dma_start3A_40] : memref<3x256x128xf32, #tpu.memory_space<vmem>> -> memref<1x128x128xf32, #tpu.memory_space<vmem>>
    %dma_start3A_42 = tpu.memref_squeeze %dma_start3A_41 : memref<1x128x128xf32, #tpu.memory_space<vmem>> -> memref<128x128xf32, #tpu.memory_space<vmem>>
    %dma_start3A_43 = arith.constant 0 : i32
    %dma_start3A_44 = tpu.memref_slice %arg8[%dma_start3A_37, %dma_start3A_43] : memref<4x128xi32, #tpu.memory_space<vmem>> -> memref<1x128xi32, #tpu.memory_space<vmem>>
    %dma_start3A_45 = tpu.memref_squeeze %dma_start3A_44 : memref<1x128xi32, #tpu.memory_space<vmem>> -> memref<128xi32, #tpu.memory_space<vmem>>
    %dma_start3A_46 = arith.constant 0 : i32
    %dma_start3A_47 = arith.constant 0 : i32
    %dma_start3A_48 = tpu.memref_slice %arg4[%dma_start3A_46, %dma_start3A_47] : memref<1000000x128xf32, #tpu.memory_space<hbm>> -> memref<1000000x128xf32, #tpu.memory_space<hbm>>
    tpu.enqueue_indirect_dma source(%dma_start3A_48 : memref<1000000x128xf32, #tpu.memory_space<hbm>>) target(%dma_start3A_42 : memref<128x128xf32, #tpu.memory_space<vmem>>) offsets(%dma_start3A_45 : memref<128xi32, #tpu.memory_space<vmem>>) semaphore(%arg14 : memref<!tpu.dma_semaphore, #tpu.memory_space<semaphore_mem>>)
    %dma_start3A_49 = arith.constant 3 : i32
    %dma_start3A_50 = arith.constant 1 : i32
    %dma_start3A_51 = arith.constant 128 : i32
    %dma_start3A_52 = arith.constant 0 : i32
    %dma_start3A_53 = tpu.memref_slice %arg10[%dma_start3A_50, %dma_start3A_51, %dma_start3A_52] : memref<3x256x128xf32, #tpu.memory_space<vmem>> -> memref<1x128x128xf32, #tpu.memory_space<vmem>>
    %dma_start3A_54 = tpu.memref_squeeze %dma_start3A_53 : memref<1x128x128xf32, #tpu.memory_space<vmem>> -> memref<128x128xf32, #tpu.memory_space<vmem>>
    %dma_start3A_55 = arith.constant 0 : i32
    %dma_start3A_56 = tpu.memref_slice %arg8[%dma_start3A_49, %dma_start3A_55] : memref<4x128xi32, #tpu.memory_space<vmem>> -> memref<1x128xi32, #tpu.memory_space<vmem>>
    %dma_start3A_57 = tpu.memref_squeeze %dma_start3A_56 : memref<1x128xi32, #tpu.memory_space<vmem>> -> memref<128xi32, #tpu.memory_space<vmem>>
    %dma_start3A_58 = arith.constant 0 : i32
    %dma_start3A_59 = arith.constant 0 : i32
    %dma_start3A_60 = tpu.memref_slice %arg4[%dma_start3A_58, %dma_start3A_59] : memref<1000000x128xf32, #tpu.memory_space<hbm>> -> memref<1000000x128xf32, #tpu.memory_space<hbm>>
    tpu.enqueue_indirect_dma source(%dma_start3A_60 : memref<1000000x128xf32, #tpu.memory_space<hbm>>) target(%dma_start3A_54 : memref<128x128xf32, #tpu.memory_space<vmem>>) offsets(%dma_start3A_57 : memref<128xi32, #tpu.memory_space<vmem>>) semaphore(%arg14 : memref<!tpu.dma_semaphore, #tpu.memory_space<semaphore_mem>>)
    %dma_wait3A_61 = arith.constant 0 : i32
    %dma_wait3A_62 = tpu.memref_slice %arg3[%mul3A_2, %dma_wait3A_61] : memref<128x128xi32, #tpu.memory_space<hbm>> -> memref<4x128xi32, #tpu.memory_space<hbm>>
    %dma_wait3A_63 = arith.constant 0 : i32
    %dma_wait3A_64 = tpu.memref_slice %arg3[%mul3A_2, %dma_wait3A_63] : memref<128x128xi32, #tpu.memory_space<hbm>> -> memref<4x128xi32, #tpu.memory_space<hbm>>
    tpu.wait_dma2 semaphore(%arg12 : memref<!tpu.dma_semaphore, #tpu.memory_space<semaphore_mem>>) src(%dma_wait3A_64 : memref<4x128xi32, #tpu.memory_space<hbm>>) dst(%arg9 : memref<4x128xi32, #tpu.memory_space<vmem>>)
    %dma_start3A_65 = arith.constant 0 : i32
    %dma_start3A_66 = arith.constant 2 : i32
    %dma_start3A_67 = arith.constant 0 : i32
    %dma_start3A_68 = arith.constant 0 : i32
    %dma_start3A_69 = tpu.memref_slice %arg10[%dma_start3A_66, %dma_start3A_67, %dma_start3A_68] : memref<3x256x128xf32, #tpu.memory_space<vmem>> -> memref<1x128x128xf32, #tpu.memory_space<vmem>>
    %dma_start3A_70 = tpu.memref_squeeze %dma_start3A_69 : memref<1x128x128xf32, #tpu.memory_space<vmem>> -> memref<128x128xf32, #tpu.memory_space<vmem>>
    %dma_start3A_71 = arith.constant 0 : i32
    %dma_start3A_72 = tpu.memref_slice %arg9[%dma_start3A_65, %dma_start3A_71] : memref<4x128xi32, #tpu.memory_space<vmem>> -> memref<1x128xi32, #tpu.memory_space<vmem>>
    %dma_start3A_73 = tpu.memref_squeeze %dma_start3A_72 : memref<1x128xi32, #tpu.memory_space<vmem>> -> memref<128xi32, #tpu.memory_space<vmem>>
    %dma_start3A_74 = arith.constant 0 : i32
    %dma_start3A_75 = arith.constant 0 : i32
    %dma_start3A_76 = tpu.memref_slice %arg5[%dma_start3A_74, %dma_start3A_75] : memref<100000x128xf32, #tpu.memory_space<hbm>> -> memref<100000x128xf32, #tpu.memory_space<hbm>>
    tpu.enqueue_indirect_dma source(%dma_start3A_76 : memref<100000x128xf32, #tpu.memory_space<hbm>>) target(%dma_start3A_70 : memref<128x128xf32, #tpu.memory_space<vmem>>) offsets(%dma_start3A_73 : memref<128xi32, #tpu.memory_space<vmem>>) semaphore(%arg15 : memref<!tpu.dma_semaphore, #tpu.memory_space<semaphore_mem>>)
    %dma_start3A_77 = arith.constant 1 : i32
    %dma_start3A_78 = arith.constant 2 : i32
    %dma_start3A_79 = arith.constant 128 : i32
    %dma_start3A_80 = arith.constant 0 : i32
    %dma_start3A_81 = tpu.memref_slice %arg10[%dma_start3A_78, %dma_start3A_79, %dma_start3A_80] : memref<3x256x128xf32, #tpu.memory_space<vmem>> -> memref<1x128x128xf32, #tpu.memory_space<vmem>>
    %dma_start3A_82 = tpu.memref_squeeze %dma_start3A_81 : memref<1x128x128xf32, #tpu.memory_space<vmem>> -> memref<128x128xf32, #tpu.memory_space<vmem>>
    %dma_start3A_83 = arith.constant 0 : i32
    %dma_start3A_84 = tpu.memref_slice %arg9[%dma_start3A_77, %dma_start3A_83] : memref<4x128xi32, #tpu.memory_space<vmem>> -> memref<1x128xi32, #tpu.memory_space<vmem>>
    %dma_start3A_85 = tpu.memref_squeeze %dma_start3A_84 : memref<1x128xi32, #tpu.memory_space<vmem>> -> memref<128xi32, #tpu.memory_space<vmem>>
    %dma_start3A_86 = arith.constant 0 : i32
    %dma_start3A_87 = arith.constant 0 : i32
    %dma_start3A_88 = tpu.memref_slice %arg5[%dma_start3A_86, %dma_start3A_87] : memref<100000x128xf32, #tpu.memory_space<hbm>> -> memref<100000x128xf32, #tpu.memory_space<hbm>>
    tpu.enqueue_indirect_dma source(%dma_start3A_88 : memref<100000x128xf32, #tpu.memory_space<hbm>>) target(%dma_start3A_82 : memref<128x128xf32, #tpu.memory_space<vmem>>) offsets(%dma_start3A_85 : memref<128xi32, #tpu.memory_space<vmem>>) semaphore(%arg15 : memref<!tpu.dma_semaphore, #tpu.memory_space<semaphore_mem>>)
    %dma_wait3A_89 = arith.constant 0 : i32
    %dma_wait3A_90 = arith.constant 0 : i32
    %dma_wait3A_91 = arith.constant 0 : i32
    %dma_wait3A_92 = arith.constant 0 : i32
    %dma_wait3A_93 = tpu.memref_slice %arg10[%dma_wait3A_90, %dma_wait3A_91, %dma_wait3A_92] : memref<3x256x128xf32, #tpu.memory_space<vmem>> -> memref<1x128x128xf32, #tpu.memory_space<vmem>>
    %dma_wait3A_94 = tpu.memref_squeeze %dma_wait3A_93 : memref<1x128x128xf32, #tpu.memory_space<vmem>> -> memref<128x128xf32, #tpu.memory_space<vmem>>
    %dma_wait3A_95 = arith.constant 0 : i32
    %dma_wait3A_96 = tpu.memref_slice %arg8[%dma_wait3A_89, %dma_wait3A_95] : memref<4x128xi32, #tpu.memory_space<vmem>> -> memref<1x128xi32, #tpu.memory_space<vmem>>
    %dma_wait3A_97 = tpu.memref_squeeze %dma_wait3A_96 : memref<1x128xi32, #tpu.memory_space<vmem>> -> memref<128xi32, #tpu.memory_space<vmem>>
    %dma_wait3A_98 = arith.constant 0 : i32
    %dma_wait3A_99 = arith.constant 0 : i32
    %dma_wait3A_100 = tpu.memref_slice %arg4[%dma_wait3A_98, %dma_wait3A_99] : memref<1000000x128xf32, #tpu.memory_space<hbm>> -> memref<1000000x128xf32, #tpu.memory_space<hbm>>
    tpu.wait_indirect_dma semaphore(%arg13 : memref<!tpu.dma_semaphore, #tpu.memory_space<semaphore_mem>>) src(%dma_wait3A_100 : memref<1000000x128xf32, #tpu.memory_space<hbm>>) dst(%dma_wait3A_94 : memref<128x128xf32, #tpu.memory_space<vmem>>)
    %dma_wait3A_101 = arith.constant 1 : i32
    %dma_wait3A_102 = arith.constant 0 : i32
    %dma_wait3A_103 = arith.constant 128 : i32
    %dma_wait3A_104 = arith.constant 0 : i32
    %dma_wait3A_105 = tpu.memref_slice %arg10[%dma_wait3A_102, %dma_wait3A_103, %dma_wait3A_104] : memref<3x256x128xf32, #tpu.memory_space<vmem>> -> memref<1x128x128xf32, #tpu.memory_space<vmem>>
    %dma_wait3A_106 = tpu.memref_squeeze %dma_wait3A_105 : memref<1x128x128xf32, #tpu.memory_space<vmem>> -> memref<128x128xf32, #tpu.memory_space<vmem>>
    %dma_wait3A_107 = arith.constant 0 : i32
    %dma_wait3A_108 = tpu.memref_slice %arg8[%dma_wait3A_101, %dma_wait3A_107] : memref<4x128xi32, #tpu.memory_space<vmem>> -> memref<1x128xi32, #tpu.memory_space<vmem>>
    %dma_wait3A_109 = tpu.memref_squeeze %dma_wait3A_108 : memref<1x128xi32, #tpu.memory_space<vmem>> -> memref<128xi32, #tpu.memory_space<vmem>>
    %dma_wait3A_110 = arith.constant 0 : i32
    %dma_wait3A_111 = arith.constant 0 : i32
    %dma_wait3A_112 = tpu.memref_slice %arg4[%dma_wait3A_110, %dma_wait3A_111] : memref<1000000x128xf32, #tpu.memory_space<hbm>> -> memref<1000000x128xf32, #tpu.memory_space<hbm>>
    tpu.wait_indirect_dma semaphore(%arg13 : memref<!tpu.dma_semaphore, #tpu.memory_space<semaphore_mem>>) src(%dma_wait3A_112 : memref<1000000x128xf32, #tpu.memory_space<hbm>>) dst(%dma_wait3A_106 : memref<128x128xf32, #tpu.memory_space<vmem>>)
    %jit3A = arith.constant 2 : i32
    %div3A = arith.divsi %mul3A_2, %jit3A : i32
    %sign3A = arith.constant 0 : i32
    %sign3A_113 = arith.cmpi sgt, %mul3A_2, %sign3A : i32
    %sign3A_114 = arith.extui %sign3A_113 : i1 to i32
    %sign3A_115 = arith.constant 0 : i32
    %sign3A_116 = arith.cmpi slt, %mul3A_2, %sign3A_115 : i32
    %sign3A_117 = arith.extui %sign3A_116 : i1 to i32
    %sign3A_118 = arith.subi %sign3A_114, %sign3A_117 : i32
    %sign3A_119 = arith.constant 0 : i32
    %sign3A_120 = arith.cmpi sgt, %jit3A, %sign3A_119 : i32
    %sign3A_121 = arith.extui %sign3A_120 : i1 to i32
    %sign3A_122 = arith.constant 0 : i32
    %sign3A_123 = arith.cmpi slt, %jit3A, %sign3A_122 : i32
    %sign3A_124 = arith.extui %sign3A_123 : i1 to i32
    %sign3A_125 = arith.subi %sign3A_121, %sign3A_124 : i32
    %ne3A = arith.cmpi ne, %sign3A_118, %sign3A_125 : i32
    %rem3A = arith.remsi %mul3A_2, %jit3A : i32
    %ne3A_126 = arith.constant 0 : i32
    %ne3A_127 = arith.cmpi ne, %rem3A, %ne3A_126 : i32
    %and3A = arith.andi %ne3A, %ne3A_127 : i1
    %sub3A = arith.constant 1 : i32
    %sub3A_128 = arith.subi %div3A, %sub3A : i32
    %select_n3A = arith.select %and3A, %sub3A_128, %div3A : i32
    %add3A_129 = arith.constant 0 : i32
    %add3A_130 = arith.addi %select_n3A, %add3A_129 : i32
    %mul3A_131 = arith.constant 2 : i32
    %mul3A_132 = arith.muli %add3A_130, %mul3A_131 : i32
    %mul3A_133 = arith.constant 128 : i32
    %mul3A_134 = arith.muli %mul3A_132, %mul3A_133 : i32
    %dma_start3A_135 = arith.constant 0 : i32
    %dma_start3A_136 = arith.constant 0 : i32
    %dma_start3A_137 = arith.constant 0 : i32
    %dma_start3A_138 = tpu.memref_slice %arg10[%dma_start3A_135, %dma_start3A_136, %dma_start3A_137] : memref<3x256x128xf32, #tpu.memory_space<vmem>> -> memref<1x256x128xf32, #tpu.memory_space<vmem>>
    %dma_start3A_139 = tpu.memref_squeeze %dma_start3A_138 : memref<1x256x128xf32, #tpu.memory_space<vmem>> -> memref<256x128xf32, #tpu.memory_space<vmem>>
    %dma_start3A_140 = arith.constant 0 : i32
    %dma_start3A_141 = tpu.memref_slice %arg6[%mul3A_134, %dma_start3A_140] : memref<16384x128xf32, #tpu.memory_space<hbm>> -> memref<256x128xf32, #tpu.memory_space<hbm>>
    %dma_start3A_142 = arith.constant 0 : i32
    %dma_start3A_143 = tpu.memref_slice %arg6[%mul3A_134, %dma_start3A_142] : memref<16384x128xf32, #tpu.memory_space<hbm>> -> memref<256x128xf32, #tpu.memory_space<hbm>>
    %dma_start3A_144 = arith.constant 0 : i32
    %dma_start3A_145 = arith.constant 0 : i32
    %dma_start3A_146 = tpu.memref_slice %arg10[%dma_start3A_135, %dma_start3A_144, %dma_start3A_145] : memref<3x256x128xf32, #tpu.memory_space<vmem>> -> memref<1x256x128xf32, #tpu.memory_space<vmem>>
    %dma_start3A_147 = tpu.memref_squeeze %dma_start3A_146 : memref<1x256x128xf32, #tpu.memory_space<vmem>> -> memref<256x128xf32, #tpu.memory_space<vmem>>
    tpu.enqueue_dma source(%dma_start3A_147 : memref<256x128xf32, #tpu.memory_space<vmem>>) target(%dma_start3A_143 : memref<256x128xf32, #tpu.memory_space<hbm>>) target_semaphore(%arg16 : memref<!tpu.dma_semaphore, #tpu.memory_space<semaphore_mem>>)
    %dma_wait3A_148 = arith.constant 0 : i32
    %dma_wait3A_149 = arith.constant 0 : i32
    %dma_wait3A_150 = arith.constant 0 : i32
    %dma_wait3A_151 = tpu.memref_slice %arg10[%dma_wait3A_148, %dma_wait3A_149, %dma_wait3A_150] : memref<3x256x128xf32, #tpu.memory_space<vmem>> -> memref<1x256x128xf32, #tpu.memory_space<vmem>>
    %dma_wait3A_152 = tpu.memref_squeeze %dma_wait3A_151 : memref<1x256x128xf32, #tpu.memory_space<vmem>> -> memref<256x128xf32, #tpu.memory_space<vmem>>
    %dma_wait3A_153 = arith.constant 0 : i32
    %dma_wait3A_154 = tpu.memref_slice %arg6[%mul3A_134, %dma_wait3A_153] : memref<16384x128xf32, #tpu.memory_space<hbm>> -> memref<256x128xf32, #tpu.memory_space<hbm>>
    %dma_wait3A_155 = arith.constant 0 : i32
    %dma_wait3A_156 = tpu.memref_slice %arg6[%mul3A_134, %dma_wait3A_155] : memref<16384x128xf32, #tpu.memory_space<hbm>> -> memref<256x128xf32, #tpu.memory_space<hbm>>
    %dma_wait3A_157 = arith.constant 0 : i32
    %dma_wait3A_158 = arith.constant 0 : i32
    %dma_wait3A_159 = tpu.memref_slice %arg10[%dma_wait3A_148, %dma_wait3A_157, %dma_wait3A_158] : memref<3x256x128xf32, #tpu.memory_space<vmem>> -> memref<1x256x128xf32, #tpu.memory_space<vmem>>
    %dma_wait3A_160 = tpu.memref_squeeze %dma_wait3A_159 : memref<1x256x128xf32, #tpu.memory_space<vmem>> -> memref<256x128xf32, #tpu.memory_space<vmem>>
    tpu.wait_dma2 semaphore(%arg16 : memref<!tpu.dma_semaphore, #tpu.memory_space<semaphore_mem>>) src(%dma_wait3A_160 : memref<256x128xf32, #tpu.memory_space<vmem>>) dst(%dma_wait3A_156 : memref<256x128xf32, #tpu.memory_space<hbm>>)
    %dma_start3A_161 = arith.constant 2 : i32
    %dma_start3A_162 = arith.constant 0 : i32
    %dma_start3A_163 = arith.constant 0 : i32
    %dma_start3A_164 = arith.constant 0 : i32
    %dma_start3A_165 = tpu.memref_slice %arg10[%dma_start3A_162, %dma_start3A_163, %dma_start3A_164] : memref<3x256x128xf32, #tpu.memory_space<vmem>> -> memref<1x128x128xf32, #tpu.memory_space<vmem>>
    %dma_start3A_166 = tpu.memref_squeeze %dma_start3A_165 : memref<1x128x128xf32, #tpu.memory_space<vmem>> -> memref<128x128xf32, #tpu.memory_space<vmem>>
    %dma_start3A_167 = arith.constant 0 : i32
    %dma_start3A_168 = tpu.memref_slice %arg9[%dma_start3A_161, %dma_start3A_167] : memref<4x128xi32, #tpu.memory_space<vmem>> -> memref<1x128xi32, #tpu.memory_space<vmem>>
    %dma_start3A_169 = tpu.memref_squeeze %dma_start3A_168 : memref<1x128xi32, #tpu.memory_space<vmem>> -> memref<128xi32, #tpu.memory_space<vmem>>
    %dma_start3A_170 = arith.constant 0 : i32
    %dma_start3A_171 = arith.constant 0 : i32
    %dma_start3A_172 = tpu.memref_slice %arg5[%dma_start3A_170, %dma_start3A_171] : memref<100000x128xf32, #tpu.memory_space<hbm>> -> memref<100000x128xf32, #tpu.memory_space<hbm>>
    tpu.enqueue_indirect_dma source(%dma_start3A_172 : memref<100000x128xf32, #tpu.memory_space<hbm>>) target(%dma_start3A_166 : memref<128x128xf32, #tpu.memory_space<vmem>>) offsets(%dma_start3A_169 : memref<128xi32, #tpu.memory_space<vmem>>) semaphore(%arg13 : memref<!tpu.dma_semaphore, #tpu.memory_space<semaphore_mem>>)
    %dma_start3A_173 = arith.constant 3 : i32
    %dma_start3A_174 = arith.constant 0 : i32
    %dma_start3A_175 = arith.constant 128 : i32
    %dma_start3A_176 = arith.constant 0 : i32
    %dma_start3A_177 = tpu.memref_slice %arg10[%dma_start3A_174, %dma_start3A_175, %dma_start3A_176] : memref<3x256x128xf32, #tpu.memory_space<vmem>> -> memref<1x128x128xf32, #tpu.memory_space<vmem>>
    %dma_start3A_178 = tpu.memref_squeeze %dma_start3A_177 : memref<1x128x128xf32, #tpu.memory_space<vmem>> -> memref<128x128xf32, #tpu.memory_space<vmem>>
    %dma_start3A_179 = arith.constant 0 : i32
    %dma_start3A_180 = tpu.memref_slice %arg9[%dma_start3A_173, %dma_start3A_179] : memref<4x128xi32, #tpu.memory_space<vmem>> -> memref<1x128xi32, #tpu.memory_space<vmem>>
    %dma_start3A_181 = tpu.memref_squeeze %dma_start3A_180 : memref<1x128xi32, #tpu.memory_space<vmem>> -> memref<128xi32, #tpu.memory_space<vmem>>
    %dma_start3A_182 = arith.constant 0 : i32
    %dma_start3A_183 = arith.constant 0 : i32
    %dma_start3A_184 = tpu.memref_slice %arg5[%dma_start3A_182, %dma_start3A_183] : memref<100000x128xf32, #tpu.memory_space<hbm>> -> memref<100000x128xf32, #tpu.memory_space<hbm>>
    tpu.enqueue_indirect_dma source(%dma_start3A_184 : memref<100000x128xf32, #tpu.memory_space<hbm>>) target(%dma_start3A_178 : memref<128x128xf32, #tpu.memory_space<vmem>>) offsets(%dma_start3A_181 : memref<128xi32, #tpu.memory_space<vmem>>) semaphore(%arg13 : memref<!tpu.dma_semaphore, #tpu.memory_space<semaphore_mem>>)
    %dma_wait3A_185 = arith.constant 2 : i32
    %dma_wait3A_186 = arith.constant 1 : i32
    %dma_wait3A_187 = arith.constant 0 : i32
    %dma_wait3A_188 = arith.constant 0 : i32
    %dma_wait3A_189 = tpu.memref_slice %arg10[%dma_wait3A_186, %dma_wait3A_187, %dma_wait3A_188] : memref<3x256x128xf32, #tpu.memory_space<vmem>> -> memref<1x128x128xf32, #tpu.memory_space<vmem>>
    %dma_wait3A_190 = tpu.memref_squeeze %dma_wait3A_189 : memref<1x128x128xf32, #tpu.memory_space<vmem>> -> memref<128x128xf32, #tpu.memory_space<vmem>>
    %dma_wait3A_191 = arith.constant 0 : i32
    %dma_wait3A_192 = tpu.memref_slice %arg8[%dma_wait3A_185, %dma_wait3A_191] : memref<4x128xi32, #tpu.memory_space<vmem>> -> memref<1x128xi32, #tpu.memory_space<vmem>>
    %dma_wait3A_193 = tpu.memref_squeeze %dma_wait3A_192 : memref<1x128xi32, #tpu.memory_space<vmem>> -> memref<128xi32, #tpu.memory_space<vmem>>
    %dma_wait3A_194 = arith.constant 0 : i32
    %dma_wait3A_195 = arith.constant 0 : i32
    %dma_wait3A_196 = tpu.memref_slice %arg4[%dma_wait3A_194, %dma_wait3A_195] : memref<1000000x128xf32, #tpu.memory_space<hbm>> -> memref<1000000x128xf32, #tpu.memory_space<hbm>>
    tpu.wait_indirect_dma semaphore(%arg14 : memref<!tpu.dma_semaphore, #tpu.memory_space<semaphore_mem>>) src(%dma_wait3A_196 : memref<1000000x128xf32, #tpu.memory_space<hbm>>) dst(%dma_wait3A_190 : memref<128x128xf32, #tpu.memory_space<vmem>>)
    %dma_wait3A_197 = arith.constant 3 : i32
    %dma_wait3A_198 = arith.constant 1 : i32
    %dma_wait3A_199 = arith.constant 128 : i32
    %dma_wait3A_200 = arith.constant 0 : i32
    %dma_wait3A_201 = tpu.memref_slice %arg10[%dma_wait3A_198, %dma_wait3A_199, %dma_wait3A_200] : memref<3x256x128xf32, #tpu.memory_space<vmem>> -> memref<1x128x128xf32, #tpu.memory_space<vmem>>
    %dma_wait3A_202 = tpu.memref_squeeze %dma_wait3A_201 : memref<1x128x128xf32, #tpu.memory_space<vmem>> -> memref<128x128xf32, #tpu.memory_space<vmem>>
    %dma_wait3A_203 = arith.constant 0 : i32
    %dma_wait3A_204 = tpu.memref_slice %arg8[%dma_wait3A_197, %dma_wait3A_203] : memref<4x128xi32, #tpu.memory_space<vmem>> -> memref<1x128xi32, #tpu.memory_space<vmem>>
    %dma_wait3A_205 = tpu.memref_squeeze %dma_wait3A_204 : memref<1x128xi32, #tpu.memory_space<vmem>> -> memref<128xi32, #tpu.memory_space<vmem>>
    %dma_wait3A_206 = arith.constant 0 : i32
    %dma_wait3A_207 = arith.constant 0 : i32
    %dma_wait3A_208 = tpu.memref_slice %arg4[%dma_wait3A_206, %dma_wait3A_207] : memref<1000000x128xf32, #tpu.memory_space<hbm>> -> memref<1000000x128xf32, #tpu.memory_space<hbm>>
    tpu.wait_indirect_dma semaphore(%arg14 : memref<!tpu.dma_semaphore, #tpu.memory_space<semaphore_mem>>) src(%dma_wait3A_208 : memref<1000000x128xf32, #tpu.memory_space<hbm>>) dst(%dma_wait3A_202 : memref<128x128xf32, #tpu.memory_space<vmem>>)
    %jit3A_209 = arith.constant 2 : i32
    %div3A_210 = arith.divsi %mul3A_2, %jit3A_209 : i32
    %sign3A_211 = arith.constant 0 : i32
    %sign3A_212 = arith.cmpi sgt, %mul3A_2, %sign3A_211 : i32
    %sign3A_213 = arith.extui %sign3A_212 : i1 to i32
    %sign3A_214 = arith.constant 0 : i32
    %sign3A_215 = arith.cmpi slt, %mul3A_2, %sign3A_214 : i32
    %sign3A_216 = arith.extui %sign3A_215 : i1 to i32
    %sign3A_217 = arith.subi %sign3A_213, %sign3A_216 : i32
    %sign3A_218 = arith.constant 0 : i32
    %sign3A_219 = arith.cmpi sgt, %jit3A_209, %sign3A_218 : i32
    %sign3A_220 = arith.extui %sign3A_219 : i1 to i32
    %sign3A_221 = arith.constant 0 : i32
    %sign3A_222 = arith.cmpi slt, %jit3A_209, %sign3A_221 : i32
    %sign3A_223 = arith.extui %sign3A_222 : i1 to i32
    %sign3A_224 = arith.subi %sign3A_220, %sign3A_223 : i32
    %ne3A_225 = arith.cmpi ne, %sign3A_217, %sign3A_224 : i32
    %rem3A_226 = arith.remsi %mul3A_2, %jit3A_209 : i32
    %ne3A_227 = arith.constant 0 : i32
    %ne3A_228 = arith.cmpi ne, %rem3A_226, %ne3A_227 : i32
    %and3A_229 = arith.andi %ne3A_225, %ne3A_228 : i1
    %sub3A_230 = arith.constant 1 : i32
    %sub3A_231 = arith.subi %div3A_210, %sub3A_230 : i32
    %select_n3A_232 = arith.select %and3A_229, %sub3A_231, %div3A_210 : i32
    %add3A_233 = arith.constant 1 : i32
    %add3A_234 = arith.addi %select_n3A_232, %add3A_233 : i32
    %mul3A_235 = arith.constant 2 : i32
    %mul3A_236 = arith.muli %add3A_234, %mul3A_235 : i32
    %mul3A_237 = arith.constant 128 : i32
    %mul3A_238 = arith.muli %mul3A_236, %mul3A_237 : i32
    %dma_start3A_239 = arith.constant 1 : i32
    %dma_start3A_240 = arith.constant 0 : i32
    %dma_start3A_241 = arith.constant 0 : i32
    %dma_start3A_242 = tpu.memref_slice %arg10[%dma_start3A_239, %dma_start3A_240, %dma_start3A_241] : memref<3x256x128xf32, #tpu.memory_space<vmem>> -> memref<1x256x128xf32, #tpu.memory_space<vmem>>
    %dma_start3A_243 = tpu.memref_squeeze %dma_start3A_242 : memref<1x256x128xf32, #tpu.memory_space<vmem>> -> memref<256x128xf32, #tpu.memory_space<vmem>>
    %dma_start3A_244 = arith.constant 0 : i32
    %dma_start3A_245 = tpu.memref_slice %arg6[%mul3A_238, %dma_start3A_244] : memref<16384x128xf32, #tpu.memory_space<hbm>> -> memref<256x128xf32, #tpu.memory_space<hbm>>
    %dma_start3A_246 = arith.constant 0 : i32
    %dma_start3A_247 = tpu.memref_slice %arg6[%mul3A_238, %dma_start3A_246] : memref<16384x128xf32, #tpu.memory_space<hbm>> -> memref<256x128xf32, #tpu.memory_space<hbm>>
    %dma_start3A_248 = arith.constant 0 : i32
    %dma_start3A_249 = arith.constant 0 : i32
    %dma_start3A_250 = tpu.memref_slice %arg10[%dma_start3A_239, %dma_start3A_248, %dma_start3A_249] : memref<3x256x128xf32, #tpu.memory_space<vmem>> -> memref<1x256x128xf32, #tpu.memory_space<vmem>>
    %dma_start3A_251 = tpu.memref_squeeze %dma_start3A_250 : memref<1x256x128xf32, #tpu.memory_space<vmem>> -> memref<256x128xf32, #tpu.memory_space<vmem>>
    tpu.enqueue_dma source(%dma_start3A_251 : memref<256x128xf32, #tpu.memory_space<vmem>>) target(%dma_start3A_247 : memref<256x128xf32, #tpu.memory_space<hbm>>) target_semaphore(%arg17 : memref<!tpu.dma_semaphore, #tpu.memory_space<semaphore_mem>>)
    %dma_wait3A_252 = arith.constant 0 : i32
    %dma_wait3A_253 = arith.constant 2 : i32
    %dma_wait3A_254 = arith.constant 0 : i32
    %dma_wait3A_255 = arith.constant 0 : i32
    %dma_wait3A_256 = tpu.memref_slice %arg10[%dma_wait3A_253, %dma_wait3A_254, %dma_wait3A_255] : memref<3x256x128xf32, #tpu.memory_space<vmem>> -> memref<1x128x128xf32, #tpu.memory_space<vmem>>
    %dma_wait3A_257 = tpu.memref_squeeze %dma_wait3A_256 : memref<1x128x128xf32, #tpu.memory_space<vmem>> -> memref<128x128xf32, #tpu.memory_space<vmem>>
    %dma_wait3A_258 = arith.constant 0 : i32
    %dma_wait3A_259 = tpu.memref_slice %arg9[%dma_wait3A_252, %dma_wait3A_258] : memref<4x128xi32, #tpu.memory_space<vmem>> -> memref<1x128xi32, #tpu.memory_space<vmem>>
    %dma_wait3A_260 = tpu.memref_squeeze %dma_wait3A_259 : memref<1x128xi32, #tpu.memory_space<vmem>> -> memref<128xi32, #tpu.memory_space<vmem>>
    %dma_wait3A_261 = arith.constant 0 : i32
    %dma_wait3A_262 = arith.constant 0 : i32
    %dma_wait3A_263 = tpu.memref_slice %arg5[%dma_wait3A_261, %dma_wait3A_262] : memref<100000x128xf32, #tpu.memory_space<hbm>> -> memref<100000x128xf32, #tpu.memory_space<hbm>>
    tpu.wait_indirect_dma semaphore(%arg15 : memref<!tpu.dma_semaphore, #tpu.memory_space<semaphore_mem>>) src(%dma_wait3A_263 : memref<100000x128xf32, #tpu.memory_space<hbm>>) dst(%dma_wait3A_257 : memref<128x128xf32, #tpu.memory_space<vmem>>)
    %dma_wait3A_264 = arith.constant 1 : i32
    %dma_wait3A_265 = arith.constant 2 : i32
    %dma_wait3A_266 = arith.constant 128 : i32
    %dma_wait3A_267 = arith.constant 0 : i32
    %dma_wait3A_268 = tpu.memref_slice %arg10[%dma_wait3A_265, %dma_wait3A_266, %dma_wait3A_267] : memref<3x256x128xf32, #tpu.memory_space<vmem>> -> memref<1x128x128xf32, #tpu.memory_space<vmem>>
    %dma_wait3A_269 = tpu.memref_squeeze %dma_wait3A_268 : memref<1x128x128xf32, #tpu.memory_space<vmem>> -> memref<128x128xf32, #tpu.memory_space<vmem>>
    %dma_wait3A_270 = arith.constant 0 : i32
    %dma_wait3A_271 = tpu.memref_slice %arg9[%dma_wait3A_264, %dma_wait3A_270] : memref<4x128xi32, #tpu.memory_space<vmem>> -> memref<1x128xi32, #tpu.memory_space<vmem>>
    %dma_wait3A_272 = tpu.memref_squeeze %dma_wait3A_271 : memref<1x128xi32, #tpu.memory_space<vmem>> -> memref<128xi32, #tpu.memory_space<vmem>>
    %dma_wait3A_273 = arith.constant 0 : i32
    %dma_wait3A_274 = arith.constant 0 : i32
    %dma_wait3A_275 = tpu.memref_slice %arg5[%dma_wait3A_273, %dma_wait3A_274] : memref<100000x128xf32, #tpu.memory_space<hbm>> -> memref<100000x128xf32, #tpu.memory_space<hbm>>
    tpu.wait_indirect_dma semaphore(%arg15 : memref<!tpu.dma_semaphore, #tpu.memory_space<semaphore_mem>>) src(%dma_wait3A_275 : memref<100000x128xf32, #tpu.memory_space<hbm>>) dst(%dma_wait3A_269 : memref<128x128xf32, #tpu.memory_space<vmem>>)
    %jit3A_276 = arith.constant 2 : i32
    %div3A_277 = arith.divsi %mul3A_2, %jit3A_276 : i32
    %sign3A_278 = arith.constant 0 : i32
    %sign3A_279 = arith.cmpi sgt, %mul3A_2, %sign3A_278 : i32
    %sign3A_280 = arith.extui %sign3A_279 : i1 to i32
    %sign3A_281 = arith.constant 0 : i32
    %sign3A_282 = arith.cmpi slt, %mul3A_2, %sign3A_281 : i32
    %sign3A_283 = arith.extui %sign3A_282 : i1 to i32
    %sign3A_284 = arith.subi %sign3A_280, %sign3A_283 : i32
    %sign3A_285 = arith.constant 0 : i32
    %sign3A_286 = arith.cmpi sgt, %jit3A_276, %sign3A_285 : i32
    %sign3A_287 = arith.extui %sign3A_286 : i1 to i32
    %sign3A_288 = arith.constant 0 : i32
    %sign3A_289 = arith.cmpi slt, %jit3A_276, %sign3A_288 : i32
    %sign3A_290 = arith.extui %sign3A_289 : i1 to i32
    %sign3A_291 = arith.subi %sign3A_287, %sign3A_290 : i32
    %ne3A_292 = arith.cmpi ne, %sign3A_284, %sign3A_291 : i32
    %rem3A_293 = arith.remsi %mul3A_2, %jit3A_276 : i32
    %ne3A_294 = arith.constant 0 : i32
    %ne3A_295 = arith.cmpi ne, %rem3A_293, %ne3A_294 : i32
    %and3A_296 = arith.andi %ne3A_292, %ne3A_295 : i1
    %sub3A_297 = arith.constant 1 : i32
    %sub3A_298 = arith.subi %div3A_277, %sub3A_297 : i32
    %select_n3A_299 = arith.select %and3A_296, %sub3A_298, %div3A_277 : i32
    %add3A_300 = arith.constant 0 : i32
    %add3A_301 = arith.addi %select_n3A_299, %add3A_300 : i32
    %mul3A_302 = arith.constant 2 : i32
    %mul3A_303 = arith.muli %add3A_301, %mul3A_302 : i32
    %mul3A_304 = arith.constant 128 : i32
    %mul3A_305 = arith.muli %mul3A_303, %mul3A_304 : i32
    %dma_start3A_306 = arith.constant 2 : i32
    %dma_start3A_307 = arith.constant 0 : i32
    %dma_start3A_308 = arith.constant 0 : i32
    %dma_start3A_309 = tpu.memref_slice %arg10[%dma_start3A_306, %dma_start3A_307, %dma_start3A_308] : memref<3x256x128xf32, #tpu.memory_space<vmem>> -> memref<1x256x128xf32, #tpu.memory_space<vmem>>
    %dma_start3A_310 = tpu.memref_squeeze %dma_start3A_309 : memref<1x256x128xf32, #tpu.memory_space<vmem>> -> memref<256x128xf32, #tpu.memory_space<vmem>>
    %dma_start3A_311 = arith.constant 0 : i32
    %dma_start3A_312 = tpu.memref_slice %arg7[%mul3A_305, %dma_start3A_311] : memref<16384x128xf32, #tpu.memory_space<hbm>> -> memref<256x128xf32, #tpu.memory_space<hbm>>
    %dma_start3A_313 = arith.constant 0 : i32
    %dma_start3A_314 = tpu.memref_slice %arg7[%mul3A_305, %dma_start3A_313] : memref<16384x128xf32, #tpu.memory_space<hbm>> -> memref<256x128xf32, #tpu.memory_space<hbm>>
    %dma_start3A_315 = arith.constant 0 : i32
    %dma_start3A_316 = arith.constant 0 : i32
    %dma_start3A_317 = tpu.memref_slice %arg10[%dma_start3A_306, %dma_start3A_315, %dma_start3A_316] : memref<3x256x128xf32, #tpu.memory_space<vmem>> -> memref<1x256x128xf32, #tpu.memory_space<vmem>>
    %dma_start3A_318 = tpu.memref_squeeze %dma_start3A_317 : memref<1x256x128xf32, #tpu.memory_space<vmem>> -> memref<256x128xf32, #tpu.memory_space<vmem>>
    tpu.enqueue_dma source(%dma_start3A_318 : memref<256x128xf32, #tpu.memory_space<vmem>>) target(%dma_start3A_314 : memref<256x128xf32, #tpu.memory_space<hbm>>) target_semaphore(%arg18 : memref<!tpu.dma_semaphore, #tpu.memory_space<semaphore_mem>>)
    %dma_wait3A_319 = arith.constant 2 : i32
    %dma_wait3A_320 = arith.constant 0 : i32
    %dma_wait3A_321 = arith.constant 0 : i32
    %dma_wait3A_322 = arith.constant 0 : i32
    %dma_wait3A_323 = tpu.memref_slice %arg10[%dma_wait3A_320, %dma_wait3A_321, %dma_wait3A_322] : memref<3x256x128xf32, #tpu.memory_space<vmem>> -> memref<1x128x128xf32, #tpu.memory_space<vmem>>
    %dma_wait3A_324 = tpu.memref_squeeze %dma_wait3A_323 : memref<1x128x128xf32, #tpu.memory_space<vmem>> -> memref<128x128xf32, #tpu.memory_space<vmem>>
    %dma_wait3A_325 = arith.constant 0 : i32
    %dma_wait3A_326 = tpu.memref_slice %arg9[%dma_wait3A_319, %dma_wait3A_325] : memref<4x128xi32, #tpu.memory_space<vmem>> -> memref<1x128xi32, #tpu.memory_space<vmem>>
    %dma_wait3A_327 = tpu.memref_squeeze %dma_wait3A_326 : memref<1x128xi32, #tpu.memory_space<vmem>> -> memref<128xi32, #tpu.memory_space<vmem>>
    %dma_wait3A_328 = arith.constant 0 : i32
    %dma_wait3A_329 = arith.constant 0 : i32
    %dma_wait3A_330 = tpu.memref_slice %arg5[%dma_wait3A_328, %dma_wait3A_329] : memref<100000x128xf32, #tpu.memory_space<hbm>> -> memref<100000x128xf32, #tpu.memory_space<hbm>>
    tpu.wait_indirect_dma semaphore(%arg13 : memref<!tpu.dma_semaphore, #tpu.memory_space<semaphore_mem>>) src(%dma_wait3A_330 : memref<100000x128xf32, #tpu.memory_space<hbm>>) dst(%dma_wait3A_324 : memref<128x128xf32, #tpu.memory_space<vmem>>)
    %dma_wait3A_331 = arith.constant 3 : i32
    %dma_wait3A_332 = arith.constant 0 : i32
    %dma_wait3A_333 = arith.constant 128 : i32
    %dma_wait3A_334 = arith.constant 0 : i32
    %dma_wait3A_335 = tpu.memref_slice %arg10[%dma_wait3A_332, %dma_wait3A_333, %dma_wait3A_334] : memref<3x256x128xf32, #tpu.memory_space<vmem>> -> memref<1x128x128xf32, #tpu.memory_space<vmem>>
    %dma_wait3A_336 = tpu.memref_squeeze %dma_wait3A_335 : memref<1x128x128xf32, #tpu.memory_space<vmem>> -> memref<128x128xf32, #tpu.memory_space<vmem>>
    %dma_wait3A_337 = arith.constant 0 : i32
    %dma_wait3A_338 = tpu.memref_slice %arg9[%dma_wait3A_331, %dma_wait3A_337] : memref<4x128xi32, #tpu.memory_space<vmem>> -> memref<1x128xi32, #tpu.memory_space<vmem>>
    %dma_wait3A_339 = tpu.memref_squeeze %dma_wait3A_338 : memref<1x128xi32, #tpu.memory_space<vmem>> -> memref<128xi32, #tpu.memory_space<vmem>>
    %dma_wait3A_340 = arith.constant 0 : i32
    %dma_wait3A_341 = arith.constant 0 : i32
    %dma_wait3A_342 = tpu.memref_slice %arg5[%dma_wait3A_340, %dma_wait3A_341] : memref<100000x128xf32, #tpu.memory_space<hbm>> -> memref<100000x128xf32, #tpu.memory_space<hbm>>
    tpu.wait_indirect_dma semaphore(%arg13 : memref<!tpu.dma_semaphore, #tpu.memory_space<semaphore_mem>>) src(%dma_wait3A_342 : memref<100000x128xf32, #tpu.memory_space<hbm>>) dst(%dma_wait3A_336 : memref<128x128xf32, #tpu.memory_space<vmem>>)
    %jit3A_343 = arith.constant 2 : i32
    %div3A_344 = arith.divsi %mul3A_2, %jit3A_343 : i32
    %sign3A_345 = arith.constant 0 : i32
    %sign3A_346 = arith.cmpi sgt, %mul3A_2, %sign3A_345 : i32
    %sign3A_347 = arith.extui %sign3A_346 : i1 to i32
    %sign3A_348 = arith.constant 0 : i32
    %sign3A_349 = arith.cmpi slt, %mul3A_2, %sign3A_348 : i32
    %sign3A_350 = arith.extui %sign3A_349 : i1 to i32
    %sign3A_351 = arith.subi %sign3A_347, %sign3A_350 : i32
    %sign3A_352 = arith.constant 0 : i32
    %sign3A_353 = arith.cmpi sgt, %jit3A_343, %sign3A_352 : i32
    %sign3A_354 = arith.extui %sign3A_353 : i1 to i32
    %sign3A_355 = arith.constant 0 : i32
    %sign3A_356 = arith.cmpi slt, %jit3A_343, %sign3A_355 : i32
    %sign3A_357 = arith.extui %sign3A_356 : i1 to i32
    %sign3A_358 = arith.subi %sign3A_354, %sign3A_357 : i32
    %ne3A_359 = arith.cmpi ne, %sign3A_351, %sign3A_358 : i32
    %rem3A_360 = arith.remsi %mul3A_2, %jit3A_343 : i32
    %ne3A_361 = arith.constant 0 : i32
    %ne3A_362 = arith.cmpi ne, %rem3A_360, %ne3A_361 : i32
    %and3A_363 = arith.andi %ne3A_359, %ne3A_362 : i1
    %sub3A_364 = arith.constant 1 : i32
    %sub3A_365 = arith.subi %div3A_344, %sub3A_364 : i32
    %select_n3A_366 = arith.select %and3A_363, %sub3A_365, %div3A_344 : i32
    %add3A_367 = arith.constant 1 : i32
    %add3A_368 = arith.addi %select_n3A_366, %add3A_367 : i32
    %mul3A_369 = arith.constant 2 : i32
    %mul3A_370 = arith.muli %add3A_368, %mul3A_369 : i32
    %mul3A_371 = arith.constant 128 : i32
    %mul3A_372 = arith.muli %mul3A_370, %mul3A_371 : i32
    %dma_start3A_373 = arith.constant 0 : i32
    %dma_start3A_374 = arith.constant 0 : i32
    %dma_start3A_375 = arith.constant 0 : i32
    %dma_start3A_376 = tpu.memref_slice %arg10[%dma_start3A_373, %dma_start3A_374, %dma_start3A_375] : memref<3x256x128xf32, #tpu.memory_space<vmem>> -> memref<1x256x128xf32, #tpu.memory_space<vmem>>
    %dma_start3A_377 = tpu.memref_squeeze %dma_start3A_376 : memref<1x256x128xf32, #tpu.memory_space<vmem>> -> memref<256x128xf32, #tpu.memory_space<vmem>>
    %dma_start3A_378 = arith.constant 0 : i32
    %dma_start3A_379 = tpu.memref_slice %arg7[%mul3A_372, %dma_start3A_378] : memref<16384x128xf32, #tpu.memory_space<hbm>> -> memref<256x128xf32, #tpu.memory_space<hbm>>
    %dma_start3A_380 = arith.constant 0 : i32
    %dma_start3A_381 = tpu.memref_slice %arg7[%mul3A_372, %dma_start3A_380] : memref<16384x128xf32, #tpu.memory_space<hbm>> -> memref<256x128xf32, #tpu.memory_space<hbm>>
    %dma_start3A_382 = arith.constant 0 : i32
    %dma_start3A_383 = arith.constant 0 : i32
    %dma_start3A_384 = tpu.memref_slice %arg10[%dma_start3A_373, %dma_start3A_382, %dma_start3A_383] : memref<3x256x128xf32, #tpu.memory_space<vmem>> -> memref<1x256x128xf32, #tpu.memory_space<vmem>>
    %dma_start3A_385 = tpu.memref_squeeze %dma_start3A_384 : memref<1x256x128xf32, #tpu.memory_space<vmem>> -> memref<256x128xf32, #tpu.memory_space<vmem>>
    tpu.enqueue_dma source(%dma_start3A_385 : memref<256x128xf32, #tpu.memory_space<vmem>>) target(%dma_start3A_381 : memref<256x128xf32, #tpu.memory_space<hbm>>) target_semaphore(%arg16 : memref<!tpu.dma_semaphore, #tpu.memory_space<semaphore_mem>>)
    %dma_wait3A_386 = arith.constant 1 : i32
    %dma_wait3A_387 = arith.constant 0 : i32
    %dma_wait3A_388 = arith.constant 0 : i32
    %dma_wait3A_389 = tpu.memref_slice %arg10[%dma_wait3A_386, %dma_wait3A_387, %dma_wait3A_388] : memref<3x256x128xf32, #tpu.memory_space<vmem>> -> memref<1x256x128xf32, #tpu.memory_space<vmem>>
    %dma_wait3A_390 = tpu.memref_squeeze %dma_wait3A_389 : memref<1x256x128xf32, #tpu.memory_space<vmem>> -> memref<256x128xf32, #tpu.memory_space<vmem>>
    %dma_wait3A_391 = arith.constant 0 : i32
    %dma_wait3A_392 = tpu.memref_slice %arg6[%mul3A_238, %dma_wait3A_391] : memref<16384x128xf32, #tpu.memory_space<hbm>> -> memref<256x128xf32, #tpu.memory_space<hbm>>
    %dma_wait3A_393 = arith.constant 0 : i32
    %dma_wait3A_394 = tpu.memref_slice %arg6[%mul3A_238, %dma_wait3A_393] : memref<16384x128xf32, #tpu.memory_space<hbm>> -> memref<256x128xf32, #tpu.memory_space<hbm>>
    %dma_wait3A_395 = arith.constant 0 : i32
    %dma_wait3A_396 = arith.constant 0 : i32
    %dma_wait3A_397 = tpu.memref_slice %arg10[%dma_wait3A_386, %dma_wait3A_395, %dma_wait3A_396] : memref<3x256x128xf32, #tpu.memory_space<vmem>> -> memref<1x256x128xf32, #tpu.memory_space<vmem>>
    %dma_wait3A_398 = tpu.memref_squeeze %dma_wait3A_397 : memref<1x256x128xf32, #tpu.memory_space<vmem>> -> memref<256x128xf32, #tpu.memory_space<vmem>>
    tpu.wait_dma2 semaphore(%arg17 : memref<!tpu.dma_semaphore, #tpu.memory_space<semaphore_mem>>) src(%dma_wait3A_398 : memref<256x128xf32, #tpu.memory_space<vmem>>) dst(%dma_wait3A_394 : memref<256x128xf32, #tpu.memory_space<hbm>>)
    %dma_wait3A_399 = arith.constant 2 : i32
    %dma_wait3A_400 = arith.constant 0 : i32
    %dma_wait3A_401 = arith.constant 0 : i32
    %dma_wait3A_402 = tpu.memref_slice %arg10[%dma_wait3A_399, %dma_wait3A_400, %dma_wait3A_401] : memref<3x256x128xf32, #tpu.memory_space<vmem>> -> memref<1x256x128xf32, #tpu.memory_space<vmem>>
    %dma_wait3A_403 = tpu.memref_squeeze %dma_wait3A_402 : memref<1x256x128xf32, #tpu.memory_space<vmem>> -> memref<256x128xf32, #tpu.memory_space<vmem>>
    %dma_wait3A_404 = arith.constant 0 : i32
    %dma_wait3A_405 = tpu.memref_slice %arg7[%mul3A_305, %dma_wait3A_404] : memref<16384x128xf32, #tpu.memory_space<hbm>> -> memref<256x128xf32, #tpu.memory_space<hbm>>
    %dma_wait3A_406 = arith.constant 0 : i32
    %dma_wait3A_407 = tpu.memref_slice %arg7[%mul3A_305, %dma_wait3A_406] : memref<16384x128xf32, #tpu.memory_space<hbm>> -> memref<256x128xf32, #tpu.memory_space<hbm>>
    %dma_wait3A_408 = arith.constant 0 : i32
    %dma_wait3A_409 = arith.constant 0 : i32
    %dma_wait3A_410 = tpu.memref_slice %arg10[%dma_wait3A_399, %dma_wait3A_408, %dma_wait3A_409] : memref<3x256x128xf32, #tpu.memory_space<vmem>> -> memref<1x256x128xf32, #tpu.memory_space<vmem>>
    %dma_wait3A_411 = tpu.memref_squeeze %dma_wait3A_410 : memref<1x256x128xf32, #tpu.memory_space<vmem>> -> memref<256x128xf32, #tpu.memory_space<vmem>>
    tpu.wait_dma2 semaphore(%arg18 : memref<!tpu.dma_semaphore, #tpu.memory_space<semaphore_mem>>) src(%dma_wait3A_411 : memref<256x128xf32, #tpu.memory_space<vmem>>) dst(%dma_wait3A_407 : memref<256x128xf32, #tpu.memory_space<hbm>>)
    %dma_wait3A_412 = arith.constant 0 : i32
    %dma_wait3A_413 = arith.constant 0 : i32
    %dma_wait3A_414 = arith.constant 0 : i32
    %dma_wait3A_415 = tpu.memref_slice %arg10[%dma_wait3A_412, %dma_wait3A_413, %dma_wait3A_414] : memref<3x256x128xf32, #tpu.memory_space<vmem>> -> memref<1x256x128xf32, #tpu.memory_space<vmem>>
    %dma_wait3A_416 = tpu.memref_squeeze %dma_wait3A_415 : memref<1x256x128xf32, #tpu.memory_space<vmem>> -> memref<256x128xf32, #tpu.memory_space<vmem>>
    %dma_wait3A_417 = arith.constant 0 : i32
    %dma_wait3A_418 = tpu.memref_slice %arg7[%mul3A_372, %dma_wait3A_417] : memref<16384x128xf32, #tpu.memory_space<hbm>> -> memref<256x128xf32, #tpu.memory_space<hbm>>
    %dma_wait3A_419 = arith.constant 0 : i32
    %dma_wait3A_420 = tpu.memref_slice %arg7[%mul3A_372, %dma_wait3A_419] : memref<16384x128xf32, #tpu.memory_space<hbm>> -> memref<256x128xf32, #tpu.memory_space<hbm>>
    %dma_wait3A_421 = arith.constant 0 : i32
    %dma_wait3A_422 = arith.constant 0 : i32
    %dma_wait3A_423 = tpu.memref_slice %arg10[%dma_wait3A_412, %dma_wait3A_421, %dma_wait3A_422] : memref<3x256x128xf32, #tpu.memory_space<vmem>> -> memref<1x256x128xf32, #tpu.memory_space<vmem>>
    %dma_wait3A_424 = tpu.memref_squeeze %dma_wait3A_423 : memref<1x256x128xf32, #tpu.memory_space<vmem>> -> memref<256x128xf32, #tpu.memory_space<vmem>>
    tpu.wait_dma2 semaphore(%arg16 : memref<!tpu.dma_semaphore, #tpu.memory_space<semaphore_mem>>) src(%dma_wait3A_424 : memref<256x128xf32, #tpu.memory_space<vmem>>) dst(%dma_wait3A_420 : memref<256x128xf32, #tpu.memory_space<hbm>>)
    return
  }
}

module attributes {stable_mosaic.version = 14 : i64} {
  func.func @_mm_body(%arg0: i32, %arg1: memref<4096x128xf32, #tpu.memory_space<vmem>>, %arg2: memref<4096x128xf32, #tpu.memory_space<vmem>>, %arg3: memref<10x128xf32, #tpu.memory_space<vmem>>, %arg4: memref<10x128xf32, #tpu.memory_space<vmem>>, %arg5: memref<10x1xf32, #tpu.memory_space<vmem>>, %arg6: memref<10x4096xf32, #tpu.memory_space<vmem>>) attributes {dimension_semantics = [#tpu.dimension_semantics<arbitrary>], iteration_bounds = array<i64: 4>, scalar_prefetch = 0 : i64, scratch_operands = 0 : i64, tpu.core_type = #tpu.core_type<tc>, window_params = [{transform_indices = @transform_0, window_bounds = array<i64: 4096, 128>}, {transform_indices = @transform_1, window_bounds = array<i64: 4096, 128>}, {pipeline_mode = #tpu.pipeline_mode<synchronous>, transform_indices = @transform_2, window_bounds = array<i64: 10, 128>}, {pipeline_mode = #tpu.pipeline_mode<synchronous>, transform_indices = @transform_3, window_bounds = array<i64: 10, 128>}, {pipeline_mode = #tpu.pipeline_mode<synchronous>, transform_indices = @transform_4, window_bounds = array<i64: 10, 1>}, {transform_indices = @transform_5, window_bounds = array<i64: 10, 4096>}]} {
    %get3A = arith.constant 0 : index
    %get3A_0 = arith.constant 0 : index
    %get3A_1 = vector.load %arg3[%get3A, %get3A_0] : memref<10x128xf32, #tpu.memory_space<vmem>>, vector<10x128xf32>
    %get3A_2 = arith.constant 0 : index
    %get3A_3 = arith.constant 0 : index
    %get3A_4 = vector.load %arg1[%get3A_2, %get3A_3] : memref<4096x128xf32, #tpu.memory_space<vmem>>, vector<4096x128xf32>
    %dot_general3A = arith.constant dense<0.000000e+00> : vector<10x4096xf32>
    %dot_general3A_5 = tpu.matmul %get3A_1, %get3A_4, %dot_general3A {dimension_numbers = #tpu.dot_dimension_numbers<[1], [1], [0], [0], [0, 0, 1, 0], [], []>, transpose_lhs_hint = false} : vector<10x128xf32>, vector<4096x128xf32>, vector<10x4096xf32> -> vector<10x4096xf32>
    %get3A_6 = arith.constant 0 : index
    %get3A_7 = arith.constant 0 : index
    %get3A_8 = vector.load %arg4[%get3A_6, %get3A_7] : memref<10x128xf32, #tpu.memory_space<vmem>>, vector<10x128xf32>
    %get3A_9 = arith.constant 0 : index
    %get3A_10 = arith.constant 0 : index
    %get3A_11 = vector.load %arg2[%get3A_9, %get3A_10] : memref<4096x128xf32, #tpu.memory_space<vmem>>, vector<4096x128xf32>
    %dot_general3A_12 = arith.constant dense<0.000000e+00> : vector<10x4096xf32>
    %dot_general3A_13 = tpu.matmul %get3A_8, %get3A_11, %dot_general3A_12 {dimension_numbers = #tpu.dot_dimension_numbers<[1], [1], [0], [0], [0, 0, 1, 0], [], []>, transpose_lhs_hint = false} : vector<10x128xf32>, vector<4096x128xf32>, vector<10x4096xf32> -> vector<10x4096xf32>
    %add3A = arith.addf %dot_general3A_5, %dot_general3A_13 : vector<10x4096xf32>
    %get3A_14 = arith.constant 0 : index
    %get3A_15 = arith.constant 0 : index
    %get3A_16 = vector.load %arg5[%get3A_14, %get3A_15] : memref<10x1xf32, #tpu.memory_space<vmem>>, vector<10x1xf32>
    %add3A_17 = vector.broadcast %get3A_16 : vector<10x1xf32> to vector<10x4096xf32>
    %add3A_18 = arith.addf %add3A, %add3A_17 : vector<10x4096xf32>
    %swap3A = arith.constant 0 : index
    %swap3A_19 = arith.constant 0 : index
    %swap3A_20 = vector.load %arg6[%swap3A, %swap3A_19] : memref<10x4096xf32, #tpu.memory_space<vmem>>, vector<10x4096xf32>
    tpu.vector_store %arg6[%swap3A, %swap3A_19], %add3A_18 {strides = array<i32>} : memref<10x4096xf32, #tpu.memory_space<vmem>>, vector<10x4096xf32>,
    return
  }
  func.func @transform_0(%arg0: i32) -> (i32, i32) {
    %c0_i32 = arith.constant 0 : i32
    %c0_i32_0 = arith.constant 0 : i32
    return %arg0, %c0_i32 : i32, i32
  }
  func.func @transform_1(%arg0: i32) -> (i32, i32) {
    %c0_i32 = arith.constant 0 : i32
    %c0_i32_0 = arith.constant 0 : i32
    return %arg0, %c0_i32 : i32, i32
  }
  func.func @transform_2(%arg0: i32) -> (i32, i32) {
    %c0_i32 = arith.constant 0 : i32
    %c0_i32_0 = arith.constant 0 : i32
    %c0_i32_1 = arith.constant 0 : i32
    return %c0_i32, %c0_i32_0 : i32, i32
  }
  func.func @transform_3(%arg0: i32) -> (i32, i32) {
    %c0_i32 = arith.constant 0 : i32
    %c0_i32_0 = arith.constant 0 : i32
    %c0_i32_1 = arith.constant 0 : i32
    return %c0_i32, %c0_i32_0 : i32, i32
  }
  func.func @transform_4(%arg0: i32) -> (i32, i32) {
    %c0_i32 = arith.constant 0 : i32
    %c0_i32_0 = arith.constant 0 : i32
    %c0_i32_1 = arith.constant 0 : i32
    return %c0_i32, %c0_i32_0 : i32, i32
  }
  func.func @transform_5(%arg0: i32) -> (i32, i32) {
    %c0_i32 = arith.constant 0 : i32
    %c0_i32_0 = arith.constant 0 : i32
    return %c0_i32, %arg0 : i32, i32
  }
}

</mosaic_0001>

<sc_bundles>
// kernel: kernel.4.cloned.1.call-start
scs
__scs_entry_jumppad:
0x0: {  	(pc) =	sbr.rel $0x88, $3  }
0x1: {  	(tag) =	ssettag $0x0;
	lr =	simm.s32 $0x1  }
0x2: {  	[smem:$0x3F9B] =	sst lr;
	_ =	strace $0xD0000000  }
0x3: {  	_ = 	snop  }
0x4: {  	_ = 	snop  }
0x5: {  	_ = 	snop  }
0x6: {  	_ = 	snop  }
0x7: {  	_ = 	snop  }
__scs_overlays_trampoline_lowered:
0x8: {  	[smem:$0x3FAA] =	sst s0  }
0x9: {  	[smem:$0x3FAB] =	sst s1  }
0xa: {  	[smem:$0x3FAC] =	sst s2  }
0xb: {  	[smem:$0x3FAD] =	sst s3  }
0xc: {  	[smem:$0x3FAE] =	sst s4  }
0xd: {  	[smem:$0x3FAF] =	sst s5  }
0xe: {  	[smem:$0x3FB0] =	sst s6  }
0xf: {  	[smem:$0x3FB1] =	sst s7  }
0x10: {  	[smem:$0x3FB2] =	sst s8  }
0x11: {  	[smem:$0x3FB3] =	sst s9;
	s0 =	simm.s32 @!p0 $0x0  }
0x12: {  	s1 =	sld [smem:$0x3F99];
	s0 =	simm.s32 @p0 $0x1  }
0x13: {  	[smem:$0x3FB4] =	sst s0;
	s0 =	simm.s32 @!p1 $0x0  }
0x14: {  	s2 =	sld [smem:$0x3F98];
	s0 =	simm.s32 @p1 $0x1  }
0x15: {  	[smem:$0x3FB5] =	sst s0;
	s0 =	simm.s32 @!p2 $0x0  }
0x16: {  	s3 =	sld [smem:$0x3FDB];
	s0 =	simm.s32 @p2 $0x1  }
0x17: {  	s4 =	simm.s32 $0x1BF5;
	[smem:$0x3FB7] =	sst s0  }
0x18: {  	s0 =	sld [smem:$0x3F9A];
	_ =	swait.ge [sflag:s4], $0x0  }
0x19: {  	s7 =	sld [smem:$0x3F9B]  }
0x1a: {  	s8 =	sadd.s32 $0xFFFFE003, lr  }
0x1b: {  	s9 =	sadd.s32 $0xFFFFFEF7, lr;
	s5 =	simm.s32 $0xFFFFFFFF;
	p2 =	slt.u32 s8, $0xFFFFF086  }
0x1c: {  	p1 =	slt.u32 s9, $0xF7A;
	s5 =	simm.s32 @!p2 $0x0  }
0x1d: {  	s5 =	simm.s32 @p1 $0x1;
	p0 =	seq.s32 s7, s2  }
0x1e: {  	s7 =	smul.u32 @!p0 $0xF7A, s2;
	p2 =	seq.s32 @!p0 s5, $0x0  }
0x1f: {  	s9 =	smul.u32 $0xF7A, s1;
	s8 =	simm.s32 @!p0 $0x1BF5;
	p2 =	por !p2, p0  }
0x20: {  	[sflag:s8] =	ssyncset.s32 @!p0 $0xFFFFF086;
	s6 =	sadd.s32 @!p0 s3, s7;
	s7 =	simm.s32 @!p0 $0x108  }
0x21: {  	s3 =	sadd.s32 s3, s9;
	s6 =	sadd.s32 @!p0 $0x88, s6;
	s7 =	simm.s32 @p2 $0x1082  }
0x22: {  	[simem:s7], [sflag:s8] =	dma.local @!p0 [hbm:s6], $0xF7A  }
0x23: {  	s9 =	sor.u32 $0xD0000000, s2;
	s6 =	simm.s32 $0x108;
	_ =	swait.ge @!p0 [sflag:s8], $0x0  }
0x24: {  	s3 =	sadd.s32 $0x88, s3;
	s6 =	simm.s32 @!p1 $0x1082;
	[sflag:s4] =	ssyncset.s32 $0xFFFFF086  }
0x25: {  	[simem:s6], [sflag:s4] =	dma.local [hbm:s3], $0xF7A  }
0x26: {  	[smem:$0x3F9B] =	sst s1;
	(tag) =	ssettag s2;
	_ =	strace s9  }
0x27: {  	s1 =	sld [smem:$0x3FAB]  }
0x28: {  	s2 =	sld [smem:$0x3FAC]  }
0x29: {  	s4 =	sld [smem:$0x3FAE]  }
0x2a: {  	p0 =	seq.s32 s5, $0x0;
	s5 =	sld [smem:$0x3FAF]  }
0x2b: {  	s6 =	sld [smem:$0x3FB0]  }
0x2c: {  	s7 =	sld [smem:$0x3FB1]  }
0x2d: {  	s3 =	simm.s32 $0x108;
	s8 =	sld [smem:$0x3FB2]  }
0x2e: {  	s3 =	simm.s32 @!p0 $0x1082;
	s9 =	sld [smem:$0x3FB3]  }
0x2f: {  	lr =	sadd.s32 s0, s3;
	s0 =	sld [smem:$0x3FAA]  }
0x30: {  	s3 =	sld [smem:$0x3FAD]  }
0x31: {  	[smem:$0x3FB6] =	sst s10  }
0x32: {  	s10 =	sld [smem:$0x3FB4];
	_ =	sdelay $0x3  }
0x33: {  	p0 =	seq.s32 s10, $0x1;
	s10 =	sld [smem:$0x3FB6];
	_ =	sdelay $0x3  }
0x34: {  	[smem:$0x3FB6] =	sst s10  }
0x35: {  	s10 =	sld [smem:$0x3FB5];
	_ =	sdelay $0x3  }
0x36: {  	p1 =	seq.s32 s10, $0x1;
	s10 =	sld [smem:$0x3FB6];
	_ =	sdelay $0x3  }
0x37: {  	[smem:$0x3FB6] =	sst s10  }
0x38: {  	s10 =	sld [smem:$0x3FB7]  }
0x39: {  	_ = 	snop;
	(pc) =	sbr.ind lr, $3  }
0x3a: {  	_ = 	snop  }
0x3b: {  	_ = 	snop  }
0x3c: {  	p2 =	seq.s32 s10, $0x1;
	s10 =	sld [smem:$0x3FB6]  }
0x3d: {  	_ =	shalt  }
0x3e: {  	_ =	shalt  }
0x3f: {  	_ =	shalt  }
0x40: {  	_ =	shalt  }
0x41: {  	_ =	shalt  }
0x42: {  	_ =	shalt  }
0x43: {  	_ =	shalt  }
0x44: {  	_ =	shalt  }
0x45: {  	_ =	shalt  }
0x46: {  	_ =	shalt  }
0x47: {  	_ =	shalt  }
0x48: {  	_ =	shalt  }
0x49: {  	_ =	shalt  }
0x4a: {  	_ =	shalt  }
0x4b: {  	_ =	shalt  }
0x4c: {  	_ =	shalt  }
0x4d: {  	_ =	shalt  }
0x4e: {  	_ =	shalt  }
0x4f: {  	_ =	shalt  }
0x50: {  	_ =	shalt  }
0x51: {  	_ =	shalt  }
0x52: {  	_ =	shalt  }
0x53: {  	_ =	shalt  }
0x54: {  	_ =	shalt  }
0x55: {  	_ =	shalt  }
0x56: {  	_ =	shalt  }
0x57: {  	_ =	shalt  }
0x58: {  	_ =	shalt  }
0x59: {  	_ =	shalt  }
0x5a: {  	_ =	shalt  }
0x5b: {  	_ =	shalt  }
0x5c: {  	_ =	shalt  }
0x5d: {  	_ =	shalt  }
0x5e: {  	_ =	shalt  }
0x5f: {  	_ =	shalt  }
0x60: {  	_ =	shalt  }
0x61: {  	_ =	shalt  }
0x62: {  	_ =	shalt  }
0x63: {  	_ =	shalt  }
0x64: {  	_ =	shalt  }
0x65: {  	_ =	shalt  }
0x66: {  	_ =	shalt  }
0x67: {  	_ =	shalt  }
0x68: {  	_ =	shalt  }
0x69: {  	_ =	shalt  }
0x6a: {  	_ =	shalt  }
0x6b: {  	_ =	shalt  }
0x6c: {  	_ =	shalt  }
0x6d: {  	_ =	shalt  }
0x6e: {  	_ =	shalt  }
0x6f: {  	_ =	shalt  }
0x70: {  	_ =	shalt  }
0x71: {  	_ =	shalt  }
0x72: {  	_ =	shalt  }
0x73: {  	_ =	shalt  }
0x74: {  	_ =	shalt  }
0x75: {  	_ =	shalt  }
0x76: {  	_ =	shalt  }
0x77: {  	_ =	shalt  }
0x78: {  	_ =	shalt  }
0x79: {  	_ =	shalt  }
0x7a: {  	_ =	shalt  }
0x7b: {  	_ =	shalt  }
0x7c: {  	_ =	shalt  }
0x7d: {  	_ =	shalt  }
0x7e: {  	_ =	shalt  }
0x7f: {  	_ =	shalt  }
0x80: {  	_ =	shalt  }
0x81: {  	_ =	shalt  }
0x82: {  	_ =	shalt  }
0x83: {  	_ =	shalt  }
0x84: {  	_ =	shalt  }
0x85: {  	_ =	shalt  }
0x86: {  	_ =	shalt  }
0x87: {  	_ =	shalt  }
.Lfunc_end0:
.L_simem_size_0:
called_computation_lowered:
.L_overlay_start_0:
0x88: {  	s2 =	sld [smem:$0x3FD9]  }
0x89: {  	s3 =	sld [smem:$0x3FFE];
	_ =	sdelay $0x1  }
0x8a: {  	s1 =	srdreg.scid  }
0x8b: {  	s0 =	sand.u32 $0x1, s1  }
0x8c: {  	s17 =	sshll.u32 s0, $0xA;
	s2 =	sadd.s32 s3, s2  }
0x8d: {  	s2 =	sadd.s32 s2, s17  }
0x8e: {  	[smem:$0x3FC2] =	sst s2  }
0x8f: {  	_ = 	snop  }
0x90: {  	s2 =	sld [smem:$0x3FC9]  }
0x91: {  	s18 =	sld [smem:$0x3FC8]  }
0x92: {  	s4 =	sld [smem:$0x3FC7]  }
0x93: {  	s5 =	sld [smem:$0x3FC6];
	(tm) =	ssettm $0x1  }
0x94: {  	s6 =	sld [smem:$0x3FFB];
	_ =	sdelay $0x3  }
0x95: {  	_ =	strace s6  }
0x96: {  	s6 =	sld [smem:$0x3FFC];
	_ =	sdelay $0x3  }
0x97: {  	_ =	strace s6  }
0x98: {  	s6 =	sld [smem:$0x3FFD];
	_ =	sdelay $0x3  }
0x99: {  	_ =	strace s6  }
0x9a: {  	_ =	strace $0x8FFFFFFF  }
0x9b: {  	s19 =	sld [smem:$0x3FDB];
	_ =	sdelay $0x1  }
0x9c: {  	s7 =	simm.s32 $_scs_section_size  }
0x9d: {  	s8 =	simm.s32 $_size__tile_overlayer_lowered;
	s9 =	simm.s32 $_tile_overlayer_lowered  }
0x9e: {  	s22 =	simm.s32 $0x1BFF;
	s21 =	sshll.u32 s9, $0x1;
	s6 =	sadd.s32 s7, s19  }
0x9f: {  	s10 =	simm.s32 $0x0;
	s20 =	sshll.u32 s8, $0x1;
	s8 =	sadd.s32 s21, s6  }
0xa0: {  	[timem:s10], [sflag:s22] =	dma.local [hbm:s8], s20  }
0xa1: {  	_ =	swait.ge [sflag:s22], s20  }
0xa2: {  	s7 =	ssub.s32 $0x0, s20;
	[sflag:s22] =	ssyncset.done $0x0  }
0xa3: {  	[sflag:s22] =	ssyncadd.s32 s7;
	_ =	sdelay $0x1  }
0xa4: {  	s23 =	simm.s32 $0x1B8B  }
0xa5: {  	_ =	swait.ge [sflag:s23], $0x1  }
0xa6: {  	[sflag:s23] =	ssyncset.done $0x0  }
0xa7: {  	s25 =	simm.s32 $0x1B8E;
	s24 =	sld [smem:$0x3FFE];
	[sflag:s23] =	ssyncadd.s32 $0xFFFFFFFF  }
0xa8: {  	s26 =	simm.s32 $execute0_lowered;
	[smem:$0x3FD2] =	sst s25  }
0xa9: {  	s8 =	sshll.u32 s26, $0x1;
	_ =	strace $0x80000046;
	[dreg:$0x1] =	wrdreg $0xFFFFFFFF  }
0xaa: {  	s28 =	simm.s32 $_size_execute0_lowered;
	s6 =	sadd.s32 s6, s8;
	[dreg:$0x0] =	wrdreg $0x0  }
0xab: {  	s8 =	sshll.u32 s28, $0x1;
	[dreg:$0x2] =	wrdreg s6  }
0xac: {  	[dreg:$0x3] =	wrdreg s8  }
0xad: {  	[dreg:$0x4] =	wrdreg $0xC0  }
0xae: {  	_ =	task [dreg:s10], $0x5FFFF  }
0xaf: {  	[dreg:$0x1] =	wrdreg $0xFFFFFFFF  }
0xb0: {  	[dreg:$0x0] =	wrdreg $0x60  }
0xb1: {  	[dreg:$0x2] =	wrdreg s2  }
0xb2: {  	[dreg:$0x3] =	wrdreg s18  }
0xb3: {  	[dreg:$0x4] =	wrdreg s4  }
0xb4: {  	[dreg:$0x5] =	wrdreg s5  }
0xb5: {  	[dreg:$0x6] =	wrdreg s24  }
0xb6: {  	[dreg:$0x7] =	wrdreg $0x9  }
0xb7: {  	_ =	task.clear_ibuf [dreg:s10], $0x8FFFF;
	_ =	strace $0x90000046  }
0xb8: {  	s29 =	simm.s32 $0x9;
	_ =	strace $0x80000048  }
0xb9: {  	_ =	swait.ge [sflag:s29], $0x1  }
0xba: {  	[sflag:s29] =	ssyncadd.s32 $0xFFFFFFFF  }
0xbb: {  	_ =	strace $0x90000048  }
0xbc: {  	_ =	sfence  }
0xbd: {  	s30 =	sld [smem:$0x0];
	_ =	sdelay $0x2  }
0xbe: {  	s31 =	sshll.u32 s1, $0xD;
	s1 =	sshrl.u32 s1, $0x2  }
0xbf: {  	s3 =	sand.u32 $0x4000, s31;
	s1 =	sadd.s32 s1, s30  }
0xc0: {  	s0 =	sor.u32 s3, s0;
	s1 =	sshll.u32 s1, $0x11  }
0xc1: {  	s0 =	sor.u32 s1, s0  }
0xc2: {  	s0 =	sadd.s32 $0x8F2B, s0  }
0xc3: {  	[sflag:s0] =	ssyncadd.remote.s32 $0x1  }
0xc4: {  	_ =	sfence.sel $0xFFFF  }
0xc5: {  	[dreg:$0x0] =	wrdreg $0xFFFFFFFF;
	(pc) =	sbr.abs _section_cstart, $3  }
0xc6: {  	[dreg:$0x1] =	wrdreg $0xFFFFFFFF  }
0xc7: {  	_ =	task.clear_ibuf [dreg:s10], $0x2FFFF;
	_ =	strace $0x9FFFFFFF  }
0xc8: {  	(tm) =	ssettm $0x7FFFFFFF  }
0xc9: {  	_ =	shalt  }
tec
execute0_lowered:
.L_overlay_start_1:
0x0: {  	(tag) =	ssettag $0x1  }
0x1: {  	s0 =	rddreg [dreg:$0x0]  }
0x2: {  	s1 =	rddreg [dreg:$0x1]  }
0x3: {  	s8 =	rddreg [dreg:$0x2]  }
0x4: {  	s3 =	rddreg [dreg:$0x3]  }
0x5: {  	s4 =	rddreg [dreg:$0x4];
	s2 =	simm.s32 $0x0  }
0x6: {  	s5 =	srdreg.scid;
	s12 =	stileid.u32;
	s19 =	simm.s32 $0x200  }
0x7: {  	s24 =	simm.s32 $0x1;
	s16 =	simm.s32 $0x80;
	s17 =	simm.s32 $0x4400  }
0x8: {  	s25 =	simm.s32 $0x100;
	s14 =	simm.s32 $0x8400;
	s29 =	simm.s32 $0x180  }
0x9: {  	s31 =	simm.s32 $0xC400;
	s26 =	simm.s32 $0x2;
	s28 =	simm.s32 $0x280  }
0xa: {  	s30 =	simm.s32 $0x14400;
	p0 =	por $0x0, $0x0;
	s20 =	simm.s32 $0x4  }
0xb: {  	s18 =	simm.s32 $0x5;
	s13 =	simm.s32 $0x7;
	[smem:$0x7FF] =	sst s2  }
0xc: {  	s6 =	sadd.s32 $0x1200, s4;
	s5 =	sand.u32 $0x1, s5;
	s4 =	sadd.s32 $0x41200, s4  }
0xd: {  	s10 =	sshll.u32 s12, $0x7;
	s12 =	sshll.u32 s12, $0xE;
	s7 =	ssub.s32 $0x2, s5  }
0xe: {  	_ =	strace $0x80000047;
	s11 =	sshll.u32 s5, $0x6;
	s9 =	sshrl.u32 s7, $0x1  }
0xf: {  	s5 =	sshll.u32 s5, $0xD;
	s10 =	sor.u32 s11, s10;
	s7 =	ssub.s32 s7, s9  }
0x10: {  	s5 =	sor.u32 s5, s12;
	s11 =	simm.s32 $0x10400;
	s23 =	smax.u32 s7, $0x1  }
0x11: {  	s12 =	simm.s32 $0x8;
	s0 =	sadd.s32 s0, s10;
	p1 =	sne.s32 s23, $0x1  }
.Ltmp0:
0x12: {  	s21 =	sadd.s32 s1, s10;
	s22 =	sor.u32 $0x1000, s5;
	(pc) =	sbr.rel @!p1 .LBB2_3-.Ltmp0, $4  }
0x13: {  	s15 =	sadd.s32 s6, s5;
	s10 =	simm.s32 $0x3;
	[dreg:$0x6] =	wrdreg s0  }
0x14: {  	s9 =	sadd.s32 s6, s22;
	s6 =	sadd.s32 s4, s5;
	s4 =	sadd.s32 s4, s22  }
0x15: {  	s5 =	simm.s32 $0x400;
	s7 =	simm.s32 $0x6;
	s22 =	simm.s32 $0x300  }
0x16: {  	s0 =	sadd.s32 $0xFFFFFFFF, s23;
	s23 =	simm.s32 $0x380;
	s1 =	rddreg [dreg:$0x6]  }
0x17: {  	[tilespmem:s2], [sflag:$0x1] =	stream.linear.gather [hbm4b:s1+s2], $0x200, $0x38;
	[tilespmem:$0x18400] =	vst v63  }
0x18: {  	_ = 	snop  }
0x19: {  	[tilespmem:s19], [sflag:$0x2] =	stream.linear.gather [hbm4b:s21+s2], $0x200, $0x38;
	[tilespmem:$0x18400] =	vst v63  }
0x1a: {  	_ =	swait.ge [sflag:s24], $0x200  }
0x1b: {  	[sflag:s24] =	ssyncset.done $0x0  }
0x1c: {  	[sflag:s24] =	ssyncadd.s32 $0xFFFFFE00  }
0x1d: {  	[tilespmem:s5], [sflag:$0x3] =	stream.indirect.gather [hbm4b:s8+s16], $0x80, s2, s16, $0xb8;
	[tilespmem:$0x18400] =	vst v63  }
0x1e: {  	_ = 	snop  }
0x1f: {  	[tilespmem:s17], [sflag:$0x3] =	stream.indirect.gather [hbm4b:s8+s16], $0x80, s16, s16, $0xb8;
	[tilespmem:$0x18400] =	vst v63  }
0x20: {  	_ = 	snop  }
0x21: {  	[tilespmem:s14], [sflag:$0x4] =	stream.indirect.gather [hbm4b:s8+s16], $0x80, s25, s16, $0xb8;
	[tilespmem:$0x18400] =	vst v63  }
0x22: {  	_ = 	snop  }
0x23: {  	[tilespmem:s31], [sflag:$0x4] =	stream.indirect.gather [hbm4b:s8+s16], $0x80, s29, s16, $0xb8;
	[tilespmem:$0x18400] =	vst v63  }
0x24: {  	_ =	swait.ge [sflag:s26], $0x200  }
0x25: {  	[sflag:s26] =	ssyncset.done $0x0  }
0x26: {  	[sflag:s26] =	ssyncadd.s32 $0xFFFFFE00  }
0x27: {  	[tilespmem:s11], [sflag:$0x5] =	stream.indirect.gather [hbm4b:s3+s16], $0x80, s19, s16, $0xb8;
	[tilespmem:$0x18400] =	vst v63  }
0x28: {  	_ = 	snop  }
0x29: {  	[tilespmem:s30], [sflag:$0x5] =	stream.indirect.gather [hbm4b:s3+s16], $0x80, s28, s16, $0xb8;
	[tilespmem:$0x18400] =	vst v63  }
0x2a: {  	_ =	swait.ge [sflag:s10], $0x4000  }
0x2b: {  	[sflag:s10] =	ssyncset.done $0x0  }
0x2c: {  	[sflag:s10] =	ssyncadd.s32 $0xFFFFC000  }
0x2d: {  	_ =	swait.ge [sflag:s10], $0x4000  }
0x2e: {  	[sflag:s10] =	ssyncset.done $0x0  }
0x2f: {  	[sflag:s10] =	ssyncadd.s32 $0xFFFFC000  }
0x30: {  	[hbm4b:s15+s2] =	stream.linear.scatter [tilespmem:s5], [sflag:$0x6], $0x8000, $0x38;
	[tilespmem:$0x18400] =	vst v63  }
0x31: {  	_ =	swait.ge [sflag:s7], $0x8000  }
0x32: {  	[sflag:s7] =	ssyncset.done $0x0  }
0x33: {  	[sflag:s7] =	ssyncadd.s32 $0xFFFF8000  }
0x34: {  	[tilespmem:s5], [sflag:$0x3] =	stream.indirect.gather [hbm4b:s3+s16], $0x80, s22, s16, $0xb8;
	[tilespmem:$0x18400] =	vst v63  }
0x35: {  	_ = 	snop  }
0x36: {  	[tilespmem:s17], [sflag:$0x3] =	stream.indirect.gather [hbm4b:s3+s16], $0x80, s23, s16, $0xb8;
	[tilespmem:$0x18400] =	vst v63  }
0x37: {  	_ =	swait.ge [sflag:s20], $0x4000  }
0x38: {  	[sflag:s20] =	ssyncset.done $0x0  }
0x39: {  	[sflag:s20] =	ssyncadd.s32 $0xFFFFC000  }
0x3a: {  	_ =	swait.ge [sflag:s20], $0x4000  }
0x3b: {  	[sflag:s20] =	ssyncset.done $0x0  }
0x3c: {  	[sflag:s20] =	ssyncadd.s32 $0xFFFFC000  }
0x3d: {  	[hbm4b:s9+s2] =	stream.linear.scatter [tilespmem:s14], [sflag:$0x7], $0x8000, $0x38;
	[tilespmem:$0x18400] =	vst v63  }
0x3e: {  	_ =	swait.ge [sflag:s18], $0x4000  }
0x3f: {  	[sflag:s18] =	ssyncset.done $0x0  }
0x40: {  	[sflag:s18] =	ssyncadd.s32 $0xFFFFC000  }
0x41: {  	_ =	swait.ge [sflag:s18], $0x4000  }
0x42: {  	[sflag:s18] =	ssyncset.done $0x0  }
0x43: {  	[sflag:s18] =	ssyncadd.s32 $0xFFFFC000  }
0x44: {  	[hbm4b:s6+s2] =	stream.linear.scatter [tilespmem:s11], [sflag:$0x8], $0x8000, $0x38;
	[tilespmem:$0x18400] =	vst v63  }
0x45: {  	_ =	swait.ge [sflag:s10], $0x4000  }
0x46: {  	[sflag:s10] =	ssyncset.done $0x0  }
0x47: {  	[sflag:s10] =	ssyncadd.s32 $0xFFFFC000  }
0x48: {  	_ =	swait.ge [sflag:s10], $0x4000  }
0x49: {  	[sflag:s10] =	ssyncset.done $0x0  }
0x4a: {  	[sflag:s10] =	ssyncadd.s32 $0xFFFFC000  }
0x4b: {  	[hbm4b:s4+s2] =	stream.linear.scatter [tilespmem:s5], [sflag:$0x6], $0x8000, $0x38;
	[tilespmem:$0x18400] =	vst v63  }
0x4c: {  	_ =	swait.ge [sflag:s13], $0x8000  }
0x4d: {  	[sflag:s13] =	ssyncset.done $0x0  }
0x4e: {  	p1 =	sne.s32 s0, $0x1;
	[sflag:s13] =	ssyncadd.s32 $0xFFFF8000  }
.Ltmp1:
0x4f: {  	_ =	swait.ge [sflag:s12], $0x8000;
	(pc) =	sbr.rel @!p1 .LBB2_3-.Ltmp1, $4  }
0x50: {  	[sflag:s12] =	ssyncset.done $0x0  }
0x51: {  	[sflag:s12] =	ssyncadd.s32 $0xFFFF8000  }
0x52: {  	s0 =	sadd.s32 $0xFFFFFFFF, s0;
	_ =	swait.ge [sflag:s7], $0x8000  }
0x53: {  	p0 =	por $0x1, $0x1;
	s1 =	rddreg [dreg:$0x6];
	[sflag:s7] =	ssyncset.done $0x0  }
.LBB2_2:
0x54: {  	[sflag:s7] =	ssyncadd.s32 $0xFFFF8000  }
0x55: {  	[tilespmem:s2], [sflag:$0x1] =	stream.linear.gather [hbm4b:s1+s2], $0x200, $0x38;
	[tilespmem:$0x18400] =	vst v63  }
0x56: {  	_ = 	snop  }
0x57: {  	[tilespmem:s19], [sflag:$0x2] =	stream.linear.gather [hbm4b:s21+s2], $0x200, $0x38;
	[tilespmem:$0x18400] =	vst v63  }
0x58: {  	_ =	swait.ge [sflag:s24], $0x200  }
0x59: {  	[sflag:s24] =	ssyncset.done $0x0  }
0x5a: {  	[sflag:s24] =	ssyncadd.s32 $0xFFFFFE00  }
0x5b: {  	[tilespmem:s5], [sflag:$0x3] =	stream.indirect.gather [hbm4b:s8+s16], $0x80, s2, s16, $0xb8;
	[tilespmem:$0x18400] =	vst v63  }
0x5c: {  	_ = 	snop  }
0x5d: {  	[tilespmem:s17], [sflag:$0x3] =	stream.indirect.gather [hbm4b:s8+s16], $0x80, s16, s16, $0xb8;
	[tilespmem:$0x18400] =	vst v63  }
0x5e: {  	_ = 	snop  }
0x5f: {  	[tilespmem:s14], [sflag:$0x4] =	stream.indirect.gather [hbm4b:s8+s16], $0x80, s25, s16, $0xb8;
	[tilespmem:$0x18400] =	vst v63  }
0x60: {  	_ = 	snop  }
0x61: {  	[tilespmem:s31], [sflag:$0x4] =	stream.indirect.gather [hbm4b:s8+s16], $0x80, s29, s16, $0xb8;
	[tilespmem:$0x18400] =	vst v63  }
0x62: {  	_ =	swait.ge [sflag:s26], $0x200  }
0x63: {  	[sflag:s26] =	ssyncset.done $0x0  }
0x64: {  	[sflag:s26] =	ssyncadd.s32 $0xFFFFFE00  }
0x65: {  	[tilespmem:s11], [sflag:$0x5] =	stream.indirect.gather [hbm4b:s3+s16], $0x80, s19, s16, $0xb8;
	[tilespmem:$0x18400] =	vst v63  }
0x66: {  	_ = 	snop  }
0x67: {  	[tilespmem:s30], [sflag:$0x5] =	stream.indirect.gather [hbm4b:s3+s16], $0x80, s28, s16, $0xb8;
	[tilespmem:$0x18400] =	vst v63  }
0x68: {  	_ =	swait.ge [sflag:s10], $0x4000  }
0x69: {  	[sflag:s10] =	ssyncset.done $0x0  }
0x6a: {  	[sflag:s10] =	ssyncadd.s32 $0xFFFFC000  }
0x6b: {  	_ =	swait.ge [sflag:s10], $0x4000  }
0x6c: {  	[sflag:s10] =	ssyncset.done $0x0  }
0x6d: {  	[sflag:s10] =	ssyncadd.s32 $0xFFFFC000  }
0x6e: {  	[hbm4b:s15+s2] =	stream.linear.scatter [tilespmem:s5], [sflag:$0x6], $0x8000, $0x38;
	[tilespmem:$0x18400] =	vst v63  }
0x6f: {  	_ =	swait.ge [sflag:s7], $0x8000  }
0x70: {  	[sflag:s7] =	ssyncset.done $0x0  }
0x71: {  	[sflag:s7] =	ssyncadd.s32 $0xFFFF8000  }
0x72: {  	[tilespmem:s5], [sflag:$0x3] =	stream.indirect.gather [hbm4b:s3+s16], $0x80, s22, s16, $0xb8;
	[tilespmem:$0x18400] =	vst v63  }
0x73: {  	_ = 	snop  }
0x74: {  	[tilespmem:s17], [sflag:$0x3] =	stream.indirect.gather [hbm4b:s3+s16], $0x80, s23, s16, $0xb8;
	[tilespmem:$0x18400] =	vst v63  }
0x75: {  	_ =	swait.ge [sflag:s20], $0x4000  }
0x76: {  	[sflag:s20] =	ssyncset.done $0x0  }
0x77: {  	[sflag:s20] =	ssyncadd.s32 $0xFFFFC000  }
0x78: {  	_ =	swait.ge [sflag:s20], $0x4000  }
0x79: {  	[sflag:s20] =	ssyncset.done $0x0  }
0x7a: {  	[sflag:s20] =	ssyncadd.s32 $0xFFFFC000  }
0x7b: {  	[hbm4b:s9+s2] =	stream.linear.scatter [tilespmem:s14], [sflag:$0x7], $0x8000, $0x38;
	[tilespmem:$0x18400] =	vst v63  }
0x7c: {  	_ =	swait.ge [sflag:s18], $0x4000  }
0x7d: {  	[sflag:s18] =	ssyncset.done $0x0  }
0x7e: {  	[sflag:s18] =	ssyncadd.s32 $0xFFFFC000  }
0x7f: {  	_ =	swait.ge [sflag:s18], $0x4000  }
0x80: {  	[sflag:s18] =	ssyncset.done $0x0  }
0x81: {  	[sflag:s18] =	ssyncadd.s32 $0xFFFFC000  }
0x82: {  	[hbm4b:s6+s2] =	stream.linear.scatter [tilespmem:s11], [sflag:$0x8], $0x8000, $0x38;
	[tilespmem:$0x18400] =	vst v63  }
0x83: {  	_ =	swait.ge [sflag:s10], $0x4000  }
0x84: {  	[sflag:s10] =	ssyncset.done $0x0  }
0x85: {  	[sflag:s10] =	ssyncadd.s32 $0xFFFFC000  }
0x86: {  	_ =	swait.ge [sflag:s10], $0x4000  }
0x87: {  	[sflag:s10] =	ssyncset.done $0x0  }
0x88: {  	[sflag:s10] =	ssyncadd.s32 $0xFFFFC000  }
0x89: {  	[hbm4b:s4+s2] =	stream.linear.scatter [tilespmem:s5], [sflag:$0x6], $0x8000, $0x38;
	[tilespmem:$0x18400] =	vst v63  }
0x8a: {  	_ =	swait.ge [sflag:s13], $0x8000  }
0x8b: {  	[sflag:s13] =	ssyncset.done $0x0  }
0x8c: {  	p1 =	sne.s32 s0, $0x1;
	[sflag:s13] =	ssyncadd.s32 $0xFFFF8000  }
.Ltmp2:
0x8d: {  	_ =	swait.ge [sflag:s12], $0x8000;
	(pc) =	sbr.rel @p1 .LBB2_2-.Ltmp2, $4  }
0x8e: {  	[sflag:s12] =	ssyncset.done $0x0  }
0x8f: {  	[sflag:s12] =	ssyncadd.s32 $0xFFFF8000  }
0x90: {  	_ =	swait.ge [sflag:s7], $0x8000  }
0x91: {  	s0 =	sadd.s32 $0xFFFFFFFF, s0;
	s1 =	rddreg [dreg:$0x6];
	[sflag:s7] =	ssyncset.done $0x0  }
.LBB2_3:
0x92: {  	[sflag:s7] =	ssyncadd.s32 @p0 $0xFFFF8000  }
0x93: {  	[tilespmem:s2], [sflag:$0x1] =	stream.linear.gather [hbm4b:s1+s2], $0x200, $0x38;
	[tilespmem:$0x18400] =	vst v63  }
0x94: {  	_ = 	snop  }
0x95: {  	[tilespmem:s19], [sflag:$0x2] =	stream.linear.gather [hbm4b:s21+s2], $0x200, $0x38;
	[tilespmem:$0x18400] =	vst v63  }
0x96: {  	_ =	swait.ge [sflag:s24], $0x200  }
0x97: {  	[sflag:s24] =	ssyncset.done $0x0  }
0x98: {  	[sflag:s24] =	ssyncadd.s32 $0xFFFFFE00  }
0x99: {  	[tilespmem:s5], [sflag:$0x3] =	stream.indirect.gather [hbm4b:s8+s16], $0x80, s2, s16, $0xb8;
	[tilespmem:$0x18400] =	vst v63  }
0x9a: {  	_ = 	snop  }
0x9b: {  	[tilespmem:s17], [sflag:$0x3] =	stream.indirect.gather [hbm4b:s8+s16], $0x80, s16, s16, $0xb8;
	[tilespmem:$0x18400] =	vst v63  }
0x9c: {  	_ = 	snop  }
0x9d: {  	[tilespmem:s14], [sflag:$0x4] =	stream.indirect.gather [hbm4b:s8+s16], $0x80, s25, s16, $0xb8;
	[tilespmem:$0x18400] =	vst v63  }
0x9e: {  	_ = 	snop  }
0x9f: {  	[tilespmem:s31], [sflag:$0x4] =	stream.indirect.gather [hbm4b:s8+s16], $0x80, s29, s16, $0xb8;
	[tilespmem:$0x18400] =	vst v63  }
0xa0: {  	_ =	swait.ge [sflag:s26], $0x200  }
0xa1: {  	[sflag:s26] =	ssyncset.done $0x0  }
0xa2: {  	[sflag:s26] =	ssyncadd.s32 $0xFFFFFE00  }
0xa3: {  	[tilespmem:s11], [sflag:$0x5] =	stream.indirect.gather [hbm4b:s3+s16], $0x80, s19, s16, $0xb8;
	[tilespmem:$0x18400] =	vst v63  }
0xa4: {  	_ = 	snop  }
0xa5: {  	[tilespmem:s30], [sflag:$0x5] =	stream.indirect.gather [hbm4b:s3+s16], $0x80, s28, s16, $0xb8;
	[tilespmem:$0x18400] =	vst v63  }
0xa6: {  	_ =	swait.ge [sflag:s10], $0x4000  }
0xa7: {  	[sflag:s10] =	ssyncset.done $0x0  }
0xa8: {  	[sflag:s10] =	ssyncadd.s32 $0xFFFFC000  }
0xa9: {  	_ =	swait.ge [sflag:s10], $0x4000  }
0xaa: {  	[sflag:s10] =	ssyncset.done $0x0  }
0xab: {  	[sflag:s10] =	ssyncadd.s32 $0xFFFFC000  }
0xac: {  	[hbm4b:s15+s2] =	stream.linear.scatter [tilespmem:s5], [sflag:$0x6], $0x8000, $0x38;
	[tilespmem:$0x18400] =	vst v63  }
0xad: {  	_ =	swait.ge [sflag:s7], $0x8000  }
0xae: {  	[sflag:s7] =	ssyncset.done $0x0  }
0xaf: {  	[sflag:s7] =	ssyncadd.s32 $0xFFFF8000  }
0xb0: {  	[tilespmem:s5], [sflag:$0x3] =	stream.indirect.gather [hbm4b:s3+s16], $0x80, s22, s16, $0xb8;
	[tilespmem:$0x18400] =	vst v63  }
0xb1: {  	_ = 	snop  }
0xb2: {  	[tilespmem:s17], [sflag:$0x3] =	stream.indirect.gather [hbm4b:s3+s16], $0x80, s23, s16, $0xb8;
	[tilespmem:$0x18400] =	vst v63  }
0xb3: {  	_ =	swait.ge [sflag:s20], $0x4000  }
0xb4: {  	[sflag:s20] =	ssyncset.done $0x0  }
0xb5: {  	[sflag:s20] =	ssyncadd.s32 $0xFFFFC000  }
0xb6: {  	_ =	swait.ge [sflag:s20], $0x4000  }
0xb7: {  	[sflag:s20] =	ssyncset.done $0x0  }
0xb8: {  	[sflag:s20] =	ssyncadd.s32 $0xFFFFC000  }
0xb9: {  	[hbm4b:s9+s2] =	stream.linear.scatter [tilespmem:s14], [sflag:$0x7], $0x8000, $0x38;
	[tilespmem:$0x18400] =	vst v63  }
0xba: {  	_ =	swait.ge [sflag:s18], $0x4000  }
0xbb: {  	[sflag:s18] =	ssyncset.done $0x0  }
0xbc: {  	[sflag:s18] =	ssyncadd.s32 $0xFFFFC000  }
0xbd: {  	_ =	swait.ge [sflag:s18], $0x4000  }
0xbe: {  	[sflag:s18] =	ssyncset.done $0x0  }
0xbf: {  	[sflag:s18] =	ssyncadd.s32 $0xFFFFC000  }
0xc0: {  	[hbm4b:s6+s2] =	stream.linear.scatter [tilespmem:s11], [sflag:$0x8], $0x8000, $0x38;
	[tilespmem:$0x18400] =	vst v63  }
0xc1: {  	_ =	swait.ge [sflag:s10], $0x4000  }
0xc2: {  	[sflag:s10] =	ssyncset.done $0x0  }
0xc3: {  	[sflag:s10] =	ssyncadd.s32 $0xFFFFC000  }
0xc4: {  	_ =	swait.ge [sflag:s10], $0x4000  }
0xc5: {  	[sflag:s10] =	ssyncset.done $0x0  }
0xc6: {  	[sflag:s10] =	ssyncadd.s32 $0xFFFFC000  }
0xc7: {  	[hbm4b:s4+s2] =	stream.linear.scatter [tilespmem:s5], [sflag:$0x6], $0x8000, $0x38;
	[tilespmem:$0x18400] =	vst v63  }
0xc8: {  	_ =	swait.ge [sflag:s13], $0x8000  }
0xc9: {  	[sflag:s13] =	ssyncset.done $0x0  }
0xca: {  	[sflag:s13] =	ssyncadd.s32 $0xFFFF8000  }
0xcb: {  	_ =	swait.ge [sflag:s12], $0x8000  }
0xcc: {  	[sflag:s12] =	ssyncset.done $0x0  }
0xcd: {  	[sflag:s12] =	ssyncadd.s32 $0xFFFF8000  }
0xce: {  	_ =	swait.ge [sflag:s7], $0x8000  }
0xcf: {  	[sflag:s7] =	ssyncset.done $0x0  }
0xd0: {  	[sflag:s7] =	ssyncadd.s32 $0xFFFF8000  }
0xd1: {  	_ =	sfence.sel $0x180000  }
0xd2: {  	[bflag:$0x0] =	sbarrier.arrive $0xFFFF  }
0xd3: {  	_ =	strace $0x90000047  }
0xd4: {  	s0 =	stileid.u32;
	[bflag:$0x2] =	sbarrier.arrive $0xFFFF  }
0xd5: {  	p0 =	sne.s32 s0, $0x0;
	s0 =	rddreg [dreg:$0x5]  }
0xd6: {  	s0 =	sadd.s32 @!p0 $0x100000, s0  }
0xd7: {  	[sflag:s0] =	ssyncadd.tile.s32 @!p0 $0x1;
	_ =	shalt  }
.Lfunc_end2:
_tile_overlayer_lowered:
.L_overlay_start_2:
0xd8: {  	(tag) =	ssettag $0x2  }
0xd9: {  	s0 =	rddreg [dreg:$0x0];
	s2 =	stileid.u32  }
0xda: {  	s1 =	rddreg [dreg:$0x1];
	p0 =	sne.s32 s2, $0x0  }
0xdb: {  	s3 =	rddreg [dreg:$0x2];
	[bflag:$0x3] =	sbarrier.arrive $0xFFFF;
	s2 =	simm.s32 @!p0 $0x1C09  }
0xdc: {  	[timem:s3], [sflag:s2] =	dma.local @!p0 [hbm:s0], s1  }
0xdd: {  	s0 =	simm.s32 @!p0 $0x9  }
0xde: {  	_ =	swait.ge @!p0 [sflag:s0], s1  }
0xdf: {  	s1 =	ssub.s32 @!p0 $0x0, s1;
	[sflag:s0] =	ssyncset.done @!p0 $0x0  }
0xe0: {  	[sflag:s0] =	ssyncadd.s32 @!p0 s1  }
0xe1: {  	[bflag:$0x3] =	sbarrier.arrive $0xFFFF  }
0xe2: {  	_ =	shalt  }

</sc_bundles>
